<compile_context>
chip_gen: v7x
topology: tpu7x:2x2x1
jax: 0.10.2.dev20260603
libtpu: 0.0.44.dev20260713+nightly
codegen_flags: <defaults>
</compile_context>

<pallas_src>
import functools

import jax
import jax.numpy as jnp
from jax import lax
from jax.experimental import pallas as pl
from jax.experimental.pallas import tpu as pltpu
from jax.experimental.pallas import tpu_sc as plsc


def _build_lookup(N, V, D, L, B):
    info = plsc.get_sparse_core_info()
    nc, ns = info.num_cores, info.num_subcores
    nw = nc * ns
    per_w = N // nw
    assert per_w * nw == N
    CHUNK = L
    n_chunks = per_w // CHUNK
    assert n_chunks * CHUNK == per_w and n_chunks % 2 == 0
    splits = []
    off = 0
    while off < CHUNK:
        g = min(128, CHUNK - off)
        splits.append((off, g))
        off += g
    LANES = D // 16

    mesh = plsc.VectorSubcoreMesh(core_axis_name="c", subcore_axis_name="s")

    @functools.partial(
        pl.kernel,
        out_type=jax.ShapeDtypeStruct((B, L, D), jnp.float32),
        mesh=mesh,
        compiler_params=pltpu.CompilerParams(
            use_tc_tiling_on_sc=False, needs_layout_passes=False),
        scratch_types=[
            pltpu.VMEM((per_w,), jnp.int32),
            pltpu.VMEM((CHUNK, D), jnp.float32),
            pltpu.VMEM((CHUNK, D), jnp.float32),
            pltpu.VMEM((L, D), jnp.float32),
            pltpu.SemaphoreType.DMA,
            pltpu.SemaphoreType.DMA,
            pltpu.SemaphoreType.DMA,
            pltpu.SemaphoreType.DMA,
        ],
    )
    def emb(x_hbm, tok_hbm, pos_hbm, out_hbm,
            idx_all, rows0, rows1, pos_v, g0, g1, s0, s1):
        wid = lax.axis_index("s") * nc + lax.axis_index("c")
        base0 = wid * per_w
        b_first = wid * n_chunks
        pltpu.sync_copy(x_hbm.at[pl.ds(base0, per_w)], idx_all)
        pltpu.sync_copy(pos_hbm, pos_v)
        bufs = ((rows0, g0, s0), (rows1, g1, s1))

        def issue(g, rowsb, gsem):
            for off, gl in splits:
                pltpu.async_copy(
                    tok_hbm.at[idx_all.at[pl.ds(g * CHUNK + off, gl)]],
                    rowsb.at[pl.ds(off, gl)], gsem)

        def wait_gather(g, rowsb, gsem):
            for off, gl in splits:
                pltpu.make_async_copy(
                    tok_hbm.at[idx_all.at[pl.ds(g * CHUNK + off, gl)]],
                    rowsb.at[pl.ds(off, gl)], gsem).wait()

        def add_pos(rowsb):
            @plsc.parallel_loop(0, CHUNK, 1, unroll=4)
            def add_body(r):
                for d in range(LANES):
                    sl = pl.ds(d * 16, 16)
                    rowsb[r, sl] = rowsb[r, sl] + pos_v[r, sl]

        issue(0, rows0, g0)

        def pair_body(t, carry):
            s = t * 2
            for j in range(2):
                g = s + j
                rowsb, gsem, ssem = bufs[j]
                orows, ogsem, ossem = bufs[1 - j]

                @pl.when(g + 1 < n_chunks)
                def _issue_next():
                    @pl.when(g >= 1)
                    def _drain_store():
                        pltpu.make_async_copy(
                            orows, out_hbm.at[0], ossem).wait()
                    issue(g + 1, orows, ogsem)

                wait_gather(g, rowsb, gsem)
                add_pos(rowsb)
                pltpu.async_copy(rowsb, out_hbm.at[b_first + g], ssem)
            return carry

        lax.fori_loop(0, n_chunks // 2, pair_body, 0)
        pltpu.make_async_copy(rows0, out_hbm.at[0], s0).wait()
        pltpu.make_async_copy(rows1, out_hbm.at[0], s1).wait()

    return emb


def kernel(x, token_table, pos_table):
    B, L = x.shape
    V, D = token_table.shape
    N = B * L
    x_flat = x.reshape(N).astype(jnp.int32)
    emb = _build_lookup(N, V, D, L, B)
    return emb(x_flat, token_table, pos_table)

# --- scband reference (transcript-rebuilt; emitter-appended) ---
"""Pipeline reference for scband-token-and-position-embedding-22660247454455 (READ-ONLY COPY).

The authoritative reference and input builder live on the scoring server;
editing this copy changes nothing except your own understanding.
"""

import jax, jax.numpy as jnp
import numpy as np

VOCAB_SIZE = 1000000
MAXLEN = 200
EMBED_DIM = 64
BATCH = 4096

def setup_inputs(seed: int = 0) -> dict:
    key = jax.random.key(seed)
    k1, k2, k3 = jax.random.split(key, 3)
    x = jax.random.randint(k1, (BATCH, MAXLEN), 0, VOCAB_SIZE, dtype=jnp.int64 if jax.config.jax_enable_x64 else jnp.int32)
    token_table = jax.random.normal(k2, (VOCAB_SIZE, EMBED_DIM), dtype=jnp.float32) * 0.05
    pos_table = jax.random.normal(k3, (MAXLEN, EMBED_DIM), dtype=jnp.float32) * 0.05
    return {"x": x, "token_table": token_table, "pos_table": pos_table}

def reference(x, token_table, pos_table):
    # token embedding lookup: gather rows of the table by token id
    tok = jnp.take(token_table, x, axis=0)            # [B, L, D]
    # position embedding: positions = arange(seq_len)
    positions = jnp.arange(x.shape[-1])
    pos = jnp.take(pos_table, positions, axis=0)      # [L, D]
    return tok + pos[None, :, :]                      # broadcast add -> [B, L, D]

if __name__ == "__main__":
    import jax
    _d = setup_inputs()
    print(jax.jit(kernel)(*tuple(_d.values())))

</pallas_src>

<mosaic_0001>
#map = affine_map<(d0, d1) -> (0)>
#map1 = affine_map<(d0, d1) -> (0, 0)>
#map2 = affine_map<(d0, d1) -> (0, 0, 0)>
module attributes {stable_mosaic.version = 14 : i64} {
  func.func @emb(%arg0: i32, %arg1: i32, %arg2: memref<819200xi32, #tpu.memory_space<hbm>>, %arg3: memref<1000000x64xf32, #tpu.memory_space<hbm>>, %arg4: memref<200x64xf32, #tpu.memory_space<hbm>>, %arg5: memref<4096x200x64xf32, #tpu.memory_space<hbm>>, %arg6: memref<25600xi32, #tpu.memory_space<vmem>>, %arg7: memref<200x64xf32, #tpu.memory_space<vmem>>, %arg8: memref<200x64xf32, #tpu.memory_space<vmem>>, %arg9: memref<200x64xf32, #tpu.memory_space<vmem>>, %arg10: memref<!tpu.dma_semaphore, #tpu.memory_space<semaphore_mem>>, %arg11: memref<!tpu.dma_semaphore, #tpu.memory_space<semaphore_mem>>, %arg12: memref<!tpu.dma_semaphore, #tpu.memory_space<semaphore_mem>>, %arg13: memref<!tpu.dma_semaphore, #tpu.memory_space<semaphore_mem>>) attributes {dimension_semantics = [#tpu.dimension_semantics<core_parallel>, #tpu.dimension_semantics<subcore_parallel>], iteration_bounds = array<i64: 2, 16>, scalar_prefetch = 0 : i64, scratch_operands = 8 : i64, tpu.core_type = #tpu.core_type<sc_vector_subcore>, window_params = [{transform_indices = #map}, {transform_indices = #map1}, {transform_indices = #map1}, {transform_indices = #map2}]} {
    %mul3A = arith.constant 2 : i32
    %mul3A_0 = arith.muli %arg1, %mul3A : i32
    %add3A = arith.addi %mul3A_0, %arg0 : i32
    %mul3A_1 = arith.constant 25600 : i32
    %mul3A_2 = arith.muli %add3A, %mul3A_1 : i32
    %mul3A_3 = arith.constant 128 : i32
    %mul3A_4 = arith.muli %add3A, %mul3A_3 : i32
    "tpu.region"() ({
      %run_scoped3A = tpu.sem_alloc : memref<!tpu.dma_semaphore, #tpu.memory_space<semaphore_mem>>
      %dma_start3A_42 = tpu.memref_slice %arg2[%mul3A_2] : memref<819200xi32, #tpu.memory_space<hbm>> -> memref<25600xi32, #tpu.memory_space<hbm>>
      %dma_start3A_43 = tpu.memref_slice %arg2[%mul3A_2] : memref<819200xi32, #tpu.memory_space<hbm>> -> memref<25600xi32, #tpu.memory_space<hbm>>
      tpu.enqueue_dma source(%dma_start3A_43 : memref<25600xi32, #tpu.memory_space<hbm>>) target(%arg6 : memref<25600xi32, #tpu.memory_space<vmem>>) target_semaphore(%run_scoped3A : memref<!tpu.dma_semaphore, #tpu.memory_space<semaphore_mem>>)
      %dma_wait3A_44 = tpu.memref_slice %arg2[%mul3A_2] : memref<819200xi32, #tpu.memory_space<hbm>> -> memref<25600xi32, #tpu.memory_space<hbm>>
      %dma_wait3A_45 = tpu.memref_slice %arg2[%mul3A_2] : memref<819200xi32, #tpu.memory_space<hbm>> -> memref<25600xi32, #tpu.memory_space<hbm>>
      tpu.wait_dma2 semaphore(%run_scoped3A : memref<!tpu.dma_semaphore, #tpu.memory_space<semaphore_mem>>) src(%dma_wait3A_45 : memref<25600xi32, #tpu.memory_space<hbm>>) dst(%arg6 : memref<25600xi32, #tpu.memory_space<vmem>>)
      tpu.yield
    }) : () -> ()
    "tpu.region"() ({
      %run_scoped3A = tpu.sem_alloc : memref<!tpu.dma_semaphore, #tpu.memory_space<semaphore_mem>>
      tpu.enqueue_dma source(%arg4 : memref<200x64xf32, #tpu.memory_space<hbm>>) target(%arg9 : memref<200x64xf32, #tpu.memory_space<vmem>>) target_semaphore(%run_scoped3A : memref<!tpu.dma_semaphore, #tpu.memory_space<semaphore_mem>>)
      tpu.wait_dma2 semaphore(%run_scoped3A : memref<!tpu.dma_semaphore, #tpu.memory_space<semaphore_mem>>) src(%arg4 : memref<200x64xf32, #tpu.memory_space<hbm>>) dst(%arg9 : memref<200x64xf32, #tpu.memory_space<vmem>>)
      tpu.yield
    }) : () -> ()
    %dma_start3A = arith.constant 0 : i32
    %dma_start3A_5 = arith.constant 0 : i32
    %dma_start3A_6 = tpu.memref_slice %arg7[%dma_start3A, %dma_start3A_5] : memref<200x64xf32, #tpu.memory_space<vmem>> -> memref<128x64xf32, #tpu.memory_space<vmem>>
    %dma_start3A_7 = arith.constant 0 : i32
    %dma_start3A_8 = tpu.memref_slice %arg6[%dma_start3A_7] : memref<25600xi32, #tpu.memory_space<vmem>> -> memref<128xi32, #tpu.memory_space<vmem>>
    %dma_start3A_9 = arith.constant 0 : i32
    %dma_start3A_10 = arith.constant 0 : i32
    %dma_start3A_11 = tpu.memref_slice %arg3[%dma_start3A_9, %dma_start3A_10] : memref<1000000x64xf32, #tpu.memory_space<hbm>> -> memref<1000000x64xf32, #tpu.memory_space<hbm>>
    tpu.enqueue_indirect_dma source(%dma_start3A_11 : memref<1000000x64xf32, #tpu.memory_space<hbm>>) target(%dma_start3A_6 : memref<128x64xf32, #tpu.memory_space<vmem>>) offsets(%dma_start3A_8 : memref<128xi32, #tpu.memory_space<vmem>>) semaphore(%arg10 : memref<!tpu.dma_semaphore, #tpu.memory_space<semaphore_mem>>)
    %dma_start3A_12 = arith.constant 128 : i32
    %dma_start3A_13 = arith.constant 0 : i32
    %dma_start3A_14 = tpu.memref_slice %arg7[%dma_start3A_12, %dma_start3A_13] : memref<200x64xf32, #tpu.memory_space<vmem>> -> memref<72x64xf32, #tpu.memory_space<vmem>>
    %dma_start3A_15 = arith.constant 128 : i32
    %dma_start3A_16 = tpu.memref_slice %arg6[%dma_start3A_15] : memref<25600xi32, #tpu.memory_space<vmem>> -> memref<72xi32, #tpu.memory_space<vmem>>
    %dma_start3A_17 = arith.constant 0 : i32
    %dma_start3A_18 = arith.constant 0 : i32
    %dma_start3A_19 = tpu.memref_slice %arg3[%dma_start3A_17, %dma_start3A_18] : memref<1000000x64xf32, #tpu.memory_space<hbm>> -> memref<1000000x64xf32, #tpu.memory_space<hbm>>
    tpu.enqueue_indirect_dma source(%dma_start3A_19 : memref<1000000x64xf32, #tpu.memory_space<hbm>>) target(%dma_start3A_14 : memref<72x64xf32, #tpu.memory_space<vmem>>) offsets(%dma_start3A_16 : memref<72xi32, #tpu.memory_space<vmem>>) semaphore(%arg10 : memref<!tpu.dma_semaphore, #tpu.memory_space<semaphore_mem>>)
    %scan3A = arith.constant 0 : i32
    %scan3A_20 = arith.constant 0 : i32
    %scan3A_21 = arith.constant 64 : i32
    %scan3A_22 = arith.addi %scan3A_20, %scan3A_21 : i32
    %scan3A_23 = arith.constant 1 : i32
    scf.for %scan3A_42 = %scan3A_20 to %scan3A_22 step %scan3A_23  : i32 {
      %mul3A_43 = arith.constant 2 : i32
      %mul3A_44 = arith.muli %scan3A_42, %mul3A_43 : i32
      %add3A_45 = arith.constant 0 : i32
      %add3A_46 = arith.addi %mul3A_44, %add3A_45 : i32
      %add3A_47 = arith.constant 1 : i32
      %add3A_48 = arith.addi %add3A_46, %add3A_47 : i32
      %lt3A = arith.constant 128 : i32
      %lt3A_49 = arith.cmpi slt, %add3A_48, %lt3A : i32
      %convert_element_type3A = arith.extui %lt3A_49 : i1 to i32
      %cond3A = arith.constant 0 : i32
      %cond3A_50 = arith.cmpi ne, %convert_element_type3A, %cond3A : i32
      scf.if %cond3A_50 {
        %ge3A = arith.constant 1 : i32
        %ge3A_127 = arith.cmpi sge, %add3A_46, %ge3A : i32
        %convert_element_type3A_128 = arith.extui %ge3A_127 : i1 to i32
        %cond3A_129 = arith.constant 0 : i32
        %cond3A_130 = arith.cmpi ne, %convert_element_type3A_128, %cond3A_129 : i32
        scf.if %cond3A_130 {
          %dma_wait3A_155 = arith.constant 0 : i32
          %dma_wait3A_156 = arith.constant 0 : i32
          %dma_wait3A_157 = arith.constant 0 : i32
          %dma_wait3A_158 = tpu.memref_slice %arg5[%dma_wait3A_155, %dma_wait3A_156, %dma_wait3A_157] : memref<4096x200x64xf32, #tpu.memory_space<hbm>> -> memref<1x200x64xf32, #tpu.memory_space<hbm>>
          %dma_wait3A_159 = tpu.memref_squeeze %dma_wait3A_158 : memref<1x200x64xf32, #tpu.memory_space<hbm>> -> memref<200x64xf32, #tpu.memory_space<hbm>>
          %dma_wait3A_160 = arith.constant 0 : i32
          %dma_wait3A_161 = arith.constant 0 : i32
          %dma_wait3A_162 = tpu.memref_slice %arg5[%dma_wait3A_155, %dma_wait3A_160, %dma_wait3A_161] : memref<4096x200x64xf32, #tpu.memory_space<hbm>> -> memref<1x200x64xf32, #tpu.memory_space<hbm>>
          %dma_wait3A_163 = tpu.memref_squeeze %dma_wait3A_162 : memref<1x200x64xf32, #tpu.memory_space<hbm>> -> memref<200x64xf32, #tpu.memory_space<hbm>>
          tpu.wait_dma2 semaphore(%arg13 : memref<!tpu.dma_semaphore, #tpu.memory_space<semaphore_mem>>) src(%arg8 : memref<200x64xf32, #tpu.memory_space<vmem>>) dst(%dma_wait3A_163 : memref<200x64xf32, #tpu.memory_space<hbm>>)
        } else {
        }
        %add3A_131 = arith.constant 1 : i32
        %add3A_132 = arith.addi %add3A_46, %add3A_131 : i32
        %mul3A_133 = arith.constant 200 : i32
        %mul3A_134 = arith.muli %add3A_132, %mul3A_133 : i32
        %add3A_135 = arith.constant 0 : i32
        %add3A_136 = arith.addi %mul3A_134, %add3A_135 : i32
        %dma_start3A_137 = arith.constant 0 : i32
        %dma_start3A_138 = arith.constant 0 : i32
        %dma_start3A_139 = tpu.memref_slice %arg8[%dma_start3A_137, %dma_start3A_138] : memref<200x64xf32, #tpu.memory_space<vmem>> -> memref<128x64xf32, #tpu.memory_space<vmem>>
        %dma_start3A_140 = tpu.memref_slice %arg6[%add3A_136] : memref<25600xi32, #tpu.memory_space<vmem>> -> memref<128xi32, #tpu.memory_space<vmem>>
        %dma_start3A_141 = arith.constant 0 : i32
        %dma_start3A_142 = arith.constant 0 : i32
        %dma_start3A_143 = tpu.memref_slice %arg3[%dma_start3A_141, %dma_start3A_142] : memref<1000000x64xf32, #tpu.memory_space<hbm>> -> memref<1000000x64xf32, #tpu.memory_space<hbm>>
        tpu.enqueue_indirect_dma source(%dma_start3A_143 : memref<1000000x64xf32, #tpu.memory_space<hbm>>) target(%dma_start3A_139 : memref<128x64xf32, #tpu.memory_space<vmem>>) offsets(%dma_start3A_140 : memref<128xi32, #tpu.memory_space<vmem>>) semaphore(%arg11 : memref<!tpu.dma_semaphore, #tpu.memory_space<semaphore_mem>>)
        %mul3A_144 = arith.constant 200 : i32
        %mul3A_145 = arith.muli %add3A_132, %mul3A_144 : i32
        %add3A_146 = arith.constant 128 : i32
        %add3A_147 = arith.addi %mul3A_145, %add3A_146 : i32
        %dma_start3A_148 = arith.constant 128 : i32
        %dma_start3A_149 = arith.constant 0 : i32
        %dma_start3A_150 = tpu.memref_slice %arg8[%dma_start3A_148, %dma_start3A_149] : memref<200x64xf32, #tpu.memory_space<vmem>> -> memref<72x64xf32, #tpu.memory_space<vmem>>
        %dma_start3A_151 = tpu.memref_slice %arg6[%add3A_147] : memref<25600xi32, #tpu.memory_space<vmem>> -> memref<72xi32, #tpu.memory_space<vmem>>
        %dma_start3A_152 = arith.constant 0 : i32
        %dma_start3A_153 = arith.constant 0 : i32
        %dma_start3A_154 = tpu.memref_slice %arg3[%dma_start3A_152, %dma_start3A_153] : memref<1000000x64xf32, #tpu.memory_space<hbm>> -> memref<1000000x64xf32, #tpu.memory_space<hbm>>
        tpu.enqueue_indirect_dma source(%dma_start3A_154 : memref<1000000x64xf32, #tpu.memory_space<hbm>>) target(%dma_start3A_150 : memref<72x64xf32, #tpu.memory_space<vmem>>) offsets(%dma_start3A_151 : memref<72xi32, #tpu.memory_space<vmem>>) semaphore(%arg11 : memref<!tpu.dma_semaphore, #tpu.memory_space<semaphore_mem>>)
      } else {
      }
      %mul3A_51 = arith.constant 200 : i32
      %mul3A_52 = arith.muli %add3A_46, %mul3A_51 : i32
      %add3A_53 = arith.constant 0 : i32
      %add3A_54 = arith.addi %mul3A_52, %add3A_53 : i32
      %dma_wait3A_55 = arith.constant 0 : i32
      %dma_wait3A_56 = arith.constant 0 : i32
      %dma_wait3A_57 = tpu.memref_slice %arg7[%dma_wait3A_55, %dma_wait3A_56] : memref<200x64xf32, #tpu.memory_space<vmem>> -> memref<128x64xf32, #tpu.memory_space<vmem>>
      %dma_wait3A_58 = tpu.memref_slice %arg6[%add3A_54] : memref<25600xi32, #tpu.memory_space<vmem>> -> memref<128xi32, #tpu.memory_space<vmem>>
      %dma_wait3A_59 = arith.constant 0 : i32
      %dma_wait3A_60 = arith.constant 0 : i32
      %dma_wait3A_61 = tpu.memref_slice %arg3[%dma_wait3A_59, %dma_wait3A_60] : memref<1000000x64xf32, #tpu.memory_space<hbm>> -> memref<1000000x64xf32, #tpu.memory_space<hbm>>
      tpu.wait_indirect_dma semaphore(%arg10 : memref<!tpu.dma_semaphore, #tpu.memory_space<semaphore_mem>>) src(%dma_wait3A_61 : memref<1000000x64xf32, #tpu.memory_space<hbm>>) dst(%dma_wait3A_57 : memref<128x64xf32, #tpu.memory_space<vmem>>)
      %mul3A_62 = arith.constant 200 : i32
      %mul3A_63 = arith.muli %add3A_46, %mul3A_62 : i32
      %add3A_64 = arith.constant 128 : i32
      %add3A_65 = arith.addi %mul3A_63, %add3A_64 : i32
      %dma_wait3A_66 = arith.constant 128 : i32
      %dma_wait3A_67 = arith.constant 0 : i32
      %dma_wait3A_68 = tpu.memref_slice %arg7[%dma_wait3A_66, %dma_wait3A_67] : memref<200x64xf32, #tpu.memory_space<vmem>> -> memref<72x64xf32, #tpu.memory_space<vmem>>
      %dma_wait3A_69 = tpu.memref_slice %arg6[%add3A_65] : memref<25600xi32, #tpu.memory_space<vmem>> -> memref<72xi32, #tpu.memory_space<vmem>>
      %dma_wait3A_70 = arith.constant 0 : i32
      %dma_wait3A_71 = arith.constant 0 : i32
      %dma_wait3A_72 = tpu.memref_slice %arg3[%dma_wait3A_70, %dma_wait3A_71] : memref<1000000x64xf32, #tpu.memory_space<hbm>> -> memref<1000000x64xf32, #tpu.memory_space<hbm>>
      tpu.wait_indirect_dma semaphore(%arg10 : memref<!tpu.dma_semaphore, #tpu.memory_space<semaphore_mem>>) src(%dma_wait3A_72 : memref<1000000x64xf32, #tpu.memory_space<hbm>>) dst(%dma_wait3A_68 : memref<72x64xf32, #tpu.memory_space<vmem>>)
      %parallel_loop3A = arith.constant 0 : i32
      %parallel_loop3A_73 = arith.constant 200 : i32
      %parallel_loop3A_74 = arith.constant 1 : i32
      scf.for %parallel_loop3A_127 = %parallel_loop3A to %parallel_loop3A_73 step %parallel_loop3A_74  : i32 {
        %parallel_loop3A_128 = arith.index_cast %parallel_loop3A_127 : i32 to index
        %parallel_loop3A_129 = arith.constant 0 : index
        %parallel_loop3A_130 = tpu.vector_load %arg7[%parallel_loop3A_128, %parallel_loop3A_129] {strides = array<i32>} : memref<200x64xf32, #tpu.memory_space<vmem>>, vector<16xf32>,
        %parallel_loop3A_131 = arith.index_cast %parallel_loop3A_127 : i32 to index
        %parallel_loop3A_132 = arith.constant 0 : index
        %parallel_loop3A_133 = tpu.vector_load %arg9[%parallel_loop3A_131, %parallel_loop3A_132] {strides = array<i32>} : memref<200x64xf32, #tpu.memory_space<vmem>>, vector<16xf32>,
        %parallel_loop3A_134 = arith.addf %parallel_loop3A_130, %parallel_loop3A_133 : vector<16xf32>
        %parallel_loop3A_135 = arith.index_cast %parallel_loop3A_127 : i32 to index
        %parallel_loop3A_136 = arith.constant 0 : index
        %parallel_loop3A_137 = tpu.vector_load %arg7[%parallel_loop3A_135, %parallel_loop3A_136] {strides = array<i32>} : memref<200x64xf32, #tpu.memory_space<vmem>>, vector<16xf32>,
        tpu.vector_store %arg7[%parallel_loop3A_135, %parallel_loop3A_136], %parallel_loop3A_134 {strides = array<i32>} : memref<200x64xf32, #tpu.memory_space<vmem>>, vector<16xf32>,
        %parallel_loop3A_138 = arith.index_cast %parallel_loop3A_127 : i32 to index
        %parallel_loop3A_139 = arith.constant 16 : index
        %parallel_loop3A_140 = tpu.vector_load %arg7[%parallel_loop3A_138, %parallel_loop3A_139] {strides = array<i32>} : memref<200x64xf32, #tpu.memory_space<vmem>>, vector<16xf32>,
        %parallel_loop3A_141 = arith.index_cast %parallel_loop3A_127 : i32 to index
        %parallel_loop3A_142 = arith.constant 16 : index
        %parallel_loop3A_143 = tpu.vector_load %arg9[%parallel_loop3A_141, %parallel_loop3A_142] {strides = array<i32>} : memref<200x64xf32, #tpu.memory_space<vmem>>, vector<16xf32>,
        %parallel_loop3A_144 = arith.addf %parallel_loop3A_140, %parallel_loop3A_143 : vector<16xf32>
        %parallel_loop3A_145 = arith.index_cast %parallel_loop3A_127 : i32 to index
        %parallel_loop3A_146 = arith.constant 16 : index
        %parallel_loop3A_147 = tpu.vector_load %arg7[%parallel_loop3A_145, %parallel_loop3A_146] {strides = array<i32>} : memref<200x64xf32, #tpu.memory_space<vmem>>, vector<16xf32>,
        tpu.vector_store %arg7[%parallel_loop3A_145, %parallel_loop3A_146], %parallel_loop3A_144 {strides = array<i32>} : memref<200x64xf32, #tpu.memory_space<vmem>>, vector<16xf32>,
        %parallel_loop3A_148 = arith.index_cast %parallel_loop3A_127 : i32 to index
        %parallel_loop3A_149 = arith.constant 32 : index
        %parallel_loop3A_150 = tpu.vector_load %arg7[%parallel_loop3A_148, %parallel_loop3A_149] {strides = array<i32>} : memref<200x64xf32, #tpu.memory_space<vmem>>, vector<16xf32>,
        %parallel_loop3A_151 = arith.index_cast %parallel_loop3A_127 : i32 to index
        %parallel_loop3A_152 = arith.constant 32 : index
        %parallel_loop3A_153 = tpu.vector_load %arg9[%parallel_loop3A_151, %parallel_loop3A_152] {strides = array<i32>} : memref<200x64xf32, #tpu.memory_space<vmem>>, vector<16xf32>,
        %parallel_loop3A_154 = arith.addf %parallel_loop3A_150, %parallel_loop3A_153 : vector<16xf32>
        %parallel_loop3A_155 = arith.index_cast %parallel_loop3A_127 : i32 to index
        %parallel_loop3A_156 = arith.constant 32 : index
        %parallel_loop3A_157 = tpu.vector_load %arg7[%parallel_loop3A_155, %parallel_loop3A_156] {strides = array<i32>} : memref<200x64xf32, #tpu.memory_space<vmem>>, vector<16xf32>,
        tpu.vector_store %arg7[%parallel_loop3A_155, %parallel_loop3A_156], %parallel_loop3A_154 {strides = array<i32>} : memref<200x64xf32, #tpu.memory_space<vmem>>, vector<16xf32>,
        %parallel_loop3A_158 = arith.index_cast %parallel_loop3A_127 : i32 to index
        %parallel_loop3A_159 = arith.constant 48 : index
        %parallel_loop3A_160 = tpu.vector_load %arg7[%parallel_loop3A_158, %parallel_loop3A_159] {strides = array<i32>} : memref<200x64xf32, #tpu.memory_space<vmem>>, vector<16xf32>,
        %parallel_loop3A_161 = arith.index_cast %parallel_loop3A_127 : i32 to index
        %parallel_loop3A_162 = arith.constant 48 : index
        %parallel_loop3A_163 = tpu.vector_load %arg9[%parallel_loop3A_161, %parallel_loop3A_162] {strides = array<i32>} : memref<200x64xf32, #tpu.memory_space<vmem>>, vector<16xf32>,
        %parallel_loop3A_164 = arith.addf %parallel_loop3A_160, %parallel_loop3A_163 : vector<16xf32>
        %parallel_loop3A_165 = arith.index_cast %parallel_loop3A_127 : i32 to index
        %parallel_loop3A_166 = arith.constant 48 : index
        %parallel_loop3A_167 = tpu.vector_load %arg7[%parallel_loop3A_165, %parallel_loop3A_166] {strides = array<i32>} : memref<200x64xf32, #tpu.memory_space<vmem>>, vector<16xf32>,
        tpu.vector_store %arg7[%parallel_loop3A_165, %parallel_loop3A_166], %parallel_loop3A_164 {strides = array<i32>} : memref<200x64xf32, #tpu.memory_space<vmem>>, vector<16xf32>,
      } {sc.loop_unroll_factor = 4 : i64, sc.parallel_access}
      %add3A_75 = arith.addi %mul3A_4, %add3A_46 : i32
      %dma_start3A_76 = arith.constant 0 : i32
      %dma_start3A_77 = arith.constant 0 : i32
      %dma_start3A_78 = tpu.memref_slice %arg5[%add3A_75, %dma_start3A_76, %dma_start3A_77] : memref<4096x200x64xf32, #tpu.memory_space<hbm>> -> memref<1x200x64xf32, #tpu.memory_space<hbm>>
      %dma_start3A_79 = tpu.memref_squeeze %dma_start3A_78 : memref<1x200x64xf32, #tpu.memory_space<hbm>> -> memref<200x64xf32, #tpu.memory_space<hbm>>
      %dma_start3A_80 = arith.constant 0 : i32
      %dma_start3A_81 = arith.constant 0 : i32
      %dma_start3A_82 = tpu.memref_slice %arg5[%add3A_75, %dma_start3A_80, %dma_start3A_81] : memref<4096x200x64xf32, #tpu.memory_space<hbm>> -> memref<1x200x64xf32, #tpu.memory_space<hbm>>
      %dma_start3A_83 = tpu.memref_squeeze %dma_start3A_82 : memref<1x200x64xf32, #tpu.memory_space<hbm>> -> memref<200x64xf32, #tpu.memory_space<hbm>>
      tpu.enqueue_dma source(%arg7 : memref<200x64xf32, #tpu.memory_space<vmem>>) target(%dma_start3A_83 : memref<200x64xf32, #tpu.memory_space<hbm>>) target_semaphore(%arg12 : memref<!tpu.dma_semaphore, #tpu.memory_space<semaphore_mem>>)
      %add3A_84 = arith.constant 1 : i32
      %add3A_85 = arith.addi %mul3A_44, %add3A_84 : i32
      %add3A_86 = arith.constant 1 : i32
      %add3A_87 = arith.addi %add3A_85, %add3A_86 : i32
      %lt3A_88 = arith.constant 128 : i32
      %lt3A_89 = arith.cmpi slt, %add3A_87, %lt3A_88 : i32
      %convert_element_type3A_90 = arith.extui %lt3A_89 : i1 to i32
      %cond3A_91 = arith.constant 0 : i32
      %cond3A_92 = arith.cmpi ne, %convert_element_type3A_90, %cond3A_91 : i32
      scf.if %cond3A_92 {
        %ge3A = arith.constant 1 : i32
        %ge3A_127 = arith.cmpi sge, %add3A_85, %ge3A : i32
        %convert_element_type3A_128 = arith.extui %ge3A_127 : i1 to i32
        %cond3A_129 = arith.constant 0 : i32
        %cond3A_130 = arith.cmpi ne, %convert_element_type3A_128, %cond3A_129 : i32
        scf.if %cond3A_130 {
          %dma_wait3A_155 = arith.constant 0 : i32
          %dma_wait3A_156 = arith.constant 0 : i32
          %dma_wait3A_157 = arith.constant 0 : i32
          %dma_wait3A_158 = tpu.memref_slice %arg5[%dma_wait3A_155, %dma_wait3A_156, %dma_wait3A_157] : memref<4096x200x64xf32, #tpu.memory_space<hbm>> -> memref<1x200x64xf32, #tpu.memory_space<hbm>>
          %dma_wait3A_159 = tpu.memref_squeeze %dma_wait3A_158 : memref<1x200x64xf32, #tpu.memory_space<hbm>> -> memref<200x64xf32, #tpu.memory_space<hbm>>
          %dma_wait3A_160 = arith.constant 0 : i32
          %dma_wait3A_161 = arith.constant 0 : i32
          %dma_wait3A_162 = tpu.memref_slice %arg5[%dma_wait3A_155, %dma_wait3A_160, %dma_wait3A_161] : memref<4096x200x64xf32, #tpu.memory_space<hbm>> -> memref<1x200x64xf32, #tpu.memory_space<hbm>>
          %dma_wait3A_163 = tpu.memref_squeeze %dma_wait3A_162 : memref<1x200x64xf32, #tpu.memory_space<hbm>> -> memref<200x64xf32, #tpu.memory_space<hbm>>
          tpu.wait_dma2 semaphore(%arg12 : memref<!tpu.dma_semaphore, #tpu.memory_space<semaphore_mem>>) src(%arg7 : memref<200x64xf32, #tpu.memory_space<vmem>>) dst(%dma_wait3A_163 : memref<200x64xf32, #tpu.memory_space<hbm>>)
        } else {
        }
        %add3A_131 = arith.constant 1 : i32
        %add3A_132 = arith.addi %add3A_85, %add3A_131 : i32
        %mul3A_133 = arith.constant 200 : i32
        %mul3A_134 = arith.muli %add3A_132, %mul3A_133 : i32
        %add3A_135 = arith.constant 0 : i32
        %add3A_136 = arith.addi %mul3A_134, %add3A_135 : i32
        %dma_start3A_137 = arith.constant 0 : i32
        %dma_start3A_138 = arith.constant 0 : i32
        %dma_start3A_139 = tpu.memref_slice %arg7[%dma_start3A_137, %dma_start3A_138] : memref<200x64xf32, #tpu.memory_space<vmem>> -> memref<128x64xf32, #tpu.memory_space<vmem>>
        %dma_start3A_140 = tpu.memref_slice %arg6[%add3A_136] : memref<25600xi32, #tpu.memory_space<vmem>> -> memref<128xi32, #tpu.memory_space<vmem>>
        %dma_start3A_141 = arith.constant 0 : i32
        %dma_start3A_142 = arith.constant 0 : i32
        %dma_start3A_143 = tpu.memref_slice %arg3[%dma_start3A_141, %dma_start3A_142] : memref<1000000x64xf32, #tpu.memory_space<hbm>> -> memref<1000000x64xf32, #tpu.memory_space<hbm>>
        tpu.enqueue_indirect_dma source(%dma_start3A_143 : memref<1000000x64xf32, #tpu.memory_space<hbm>>) target(%dma_start3A_139 : memref<128x64xf32, #tpu.memory_space<vmem>>) offsets(%dma_start3A_140 : memref<128xi32, #tpu.memory_space<vmem>>) semaphore(%arg10 : memref<!tpu.dma_semaphore, #tpu.memory_space<semaphore_mem>>)
        %mul3A_144 = arith.constant 200 : i32
        %mul3A_145 = arith.muli %add3A_132, %mul3A_144 : i32
        %add3A_146 = arith.constant 128 : i32
        %add3A_147 = arith.addi %mul3A_145, %add3A_146 : i32
        %dma_start3A_148 = arith.constant 128 : i32
        %dma_start3A_149 = arith.constant 0 : i32
        %dma_start3A_150 = tpu.memref_slice %arg7[%dma_start3A_148, %dma_start3A_149] : memref<200x64xf32, #tpu.memory_space<vmem>> -> memref<72x64xf32, #tpu.memory_space<vmem>>
        %dma_start3A_151 = tpu.memref_slice %arg6[%add3A_147] : memref<25600xi32, #tpu.memory_space<vmem>> -> memref<72xi32, #tpu.memory_space<vmem>>
        %dma_start3A_152 = arith.constant 0 : i32
        %dma_start3A_153 = arith.constant 0 : i32
        %dma_start3A_154 = tpu.memref_slice %arg3[%dma_start3A_152, %dma_start3A_153] : memref<1000000x64xf32, #tpu.memory_space<hbm>> -> memref<1000000x64xf32, #tpu.memory_space<hbm>>
        tpu.enqueue_indirect_dma source(%dma_start3A_154 : memref<1000000x64xf32, #tpu.memory_space<hbm>>) target(%dma_start3A_150 : memref<72x64xf32, #tpu.memory_space<vmem>>) offsets(%dma_start3A_151 : memref<72xi32, #tpu.memory_space<vmem>>) semaphore(%arg10 : memref<!tpu.dma_semaphore, #tpu.memory_space<semaphore_mem>>)
      } else {
      }
      %mul3A_93 = arith.constant 200 : i32
      %mul3A_94 = arith.muli %add3A_85, %mul3A_93 : i32
      %add3A_95 = arith.constant 0 : i32
      %add3A_96 = arith.addi %mul3A_94, %add3A_95 : i32
      %dma_wait3A_97 = arith.constant 0 : i32
      %dma_wait3A_98 = arith.constant 0 : i32
      %dma_wait3A_99 = tpu.memref_slice %arg8[%dma_wait3A_97, %dma_wait3A_98] : memref<200x64xf32, #tpu.memory_space<vmem>> -> memref<128x64xf32, #tpu.memory_space<vmem>>
      %dma_wait3A_100 = tpu.memref_slice %arg6[%add3A_96] : memref<25600xi32, #tpu.memory_space<vmem>> -> memref<128xi32, #tpu.memory_space<vmem>>
      %dma_wait3A_101 = arith.constant 0 : i32
      %dma_wait3A_102 = arith.constant 0 : i32
      %dma_wait3A_103 = tpu.memref_slice %arg3[%dma_wait3A_101, %dma_wait3A_102] : memref<1000000x64xf32, #tpu.memory_space<hbm>> -> memref<1000000x64xf32, #tpu.memory_space<hbm>>
      tpu.wait_indirect_dma semaphore(%arg11 : memref<!tpu.dma_semaphore, #tpu.memory_space<semaphore_mem>>) src(%dma_wait3A_103 : memref<1000000x64xf32, #tpu.memory_space<hbm>>) dst(%dma_wait3A_99 : memref<128x64xf32, #tpu.memory_space<vmem>>)
      %mul3A_104 = arith.constant 200 : i32
      %mul3A_105 = arith.muli %add3A_85, %mul3A_104 : i32
      %add3A_106 = arith.constant 128 : i32
      %add3A_107 = arith.addi %mul3A_105, %add3A_106 : i32
      %dma_wait3A_108 = arith.constant 128 : i32
      %dma_wait3A_109 = arith.constant 0 : i32
      %dma_wait3A_110 = tpu.memref_slice %arg8[%dma_wait3A_108, %dma_wait3A_109] : memref<200x64xf32, #tpu.memory_space<vmem>> -> memref<72x64xf32, #tpu.memory_space<vmem>>
      %dma_wait3A_111 = tpu.memref_slice %arg6[%add3A_107] : memref<25600xi32, #tpu.memory_space<vmem>> -> memref<72xi32, #tpu.memory_space<vmem>>
      %dma_wait3A_112 = arith.constant 0 : i32
      %dma_wait3A_113 = arith.constant 0 : i32
      %dma_wait3A_114 = tpu.memref_slice %arg3[%dma_wait3A_112, %dma_wait3A_113] : memref<1000000x64xf32, #tpu.memory_space<hbm>> -> memref<1000000x64xf32, #tpu.memory_space<hbm>>
      tpu.wait_indirect_dma semaphore(%arg11 : memref<!tpu.dma_semaphore, #tpu.memory_space<semaphore_mem>>) src(%dma_wait3A_114 : memref<1000000x64xf32, #tpu.memory_space<hbm>>) dst(%dma_wait3A_110 : memref<72x64xf32, #tpu.memory_space<vmem>>)
      %parallel_loop3A_115 = arith.constant 0 : i32
      %parallel_loop3A_116 = arith.constant 200 : i32
      %parallel_loop3A_117 = arith.constant 1 : i32
      scf.for %parallel_loop3A_127 = %parallel_loop3A_115 to %parallel_loop3A_116 step %parallel_loop3A_117  : i32 {
        %parallel_loop3A_128 = arith.index_cast %parallel_loop3A_127 : i32 to index
        %parallel_loop3A_129 = arith.constant 0 : index
        %parallel_loop3A_130 = tpu.vector_load %arg8[%parallel_loop3A_128, %parallel_loop3A_129] {strides = array<i32>} : memref<200x64xf32, #tpu.memory_space<vmem>>, vector<16xf32>,
        %parallel_loop3A_131 = arith.index_cast %parallel_loop3A_127 : i32 to index
        %parallel_loop3A_132 = arith.constant 0 : index
        %parallel_loop3A_133 = tpu.vector_load %arg9[%parallel_loop3A_131, %parallel_loop3A_132] {strides = array<i32>} : memref<200x64xf32, #tpu.memory_space<vmem>>, vector<16xf32>,
        %parallel_loop3A_134 = arith.addf %parallel_loop3A_130, %parallel_loop3A_133 : vector<16xf32>
        %parallel_loop3A_135 = arith.index_cast %parallel_loop3A_127 : i32 to index
        %parallel_loop3A_136 = arith.constant 0 : index
        %parallel_loop3A_137 = tpu.vector_load %arg8[%parallel_loop3A_135, %parallel_loop3A_136] {strides = array<i32>} : memref<200x64xf32, #tpu.memory_space<vmem>>, vector<16xf32>,
        tpu.vector_store %arg8[%parallel_loop3A_135, %parallel_loop3A_136], %parallel_loop3A_134 {strides = array<i32>} : memref<200x64xf32, #tpu.memory_space<vmem>>, vector<16xf32>,
        %parallel_loop3A_138 = arith.index_cast %parallel_loop3A_127 : i32 to index
        %parallel_loop3A_139 = arith.constant 16 : index
        %parallel_loop3A_140 = tpu.vector_load %arg8[%parallel_loop3A_138, %parallel_loop3A_139] {strides = array<i32>} : memref<200x64xf32, #tpu.memory_space<vmem>>, vector<16xf32>,
        %parallel_loop3A_141 = arith.index_cast %parallel_loop3A_127 : i32 to index
        %parallel_loop3A_142 = arith.constant 16 : index
        %parallel_loop3A_143 = tpu.vector_load %arg9[%parallel_loop3A_141, %parallel_loop3A_142] {strides = array<i32>} : memref<200x64xf32, #tpu.memory_space<vmem>>, vector<16xf32>,
        %parallel_loop3A_144 = arith.addf %parallel_loop3A_140, %parallel_loop3A_143 : vector<16xf32>
        %parallel_loop3A_145 = arith.index_cast %parallel_loop3A_127 : i32 to index
        %parallel_loop3A_146 = arith.constant 16 : index
        %parallel_loop3A_147 = tpu.vector_load %arg8[%parallel_loop3A_145, %parallel_loop3A_146] {strides = array<i32>} : memref<200x64xf32, #tpu.memory_space<vmem>>, vector<16xf32>,
        tpu.vector_store %arg8[%parallel_loop3A_145, %parallel_loop3A_146], %parallel_loop3A_144 {strides = array<i32>} : memref<200x64xf32, #tpu.memory_space<vmem>>, vector<16xf32>,
        %parallel_loop3A_148 = arith.index_cast %parallel_loop3A_127 : i32 to index
        %parallel_loop3A_149 = arith.constant 32 : index
        %parallel_loop3A_150 = tpu.vector_load %arg8[%parallel_loop3A_148, %parallel_loop3A_149] {strides = array<i32>} : memref<200x64xf32, #tpu.memory_space<vmem>>, vector<16xf32>,
        %parallel_loop3A_151 = arith.index_cast %parallel_loop3A_127 : i32 to index
        %parallel_loop3A_152 = arith.constant 32 : index
        %parallel_loop3A_153 = tpu.vector_load %arg9[%parallel_loop3A_151, %parallel_loop3A_152] {strides = array<i32>} : memref<200x64xf32, #tpu.memory_space<vmem>>, vector<16xf32>,
        %parallel_loop3A_154 = arith.addf %parallel_loop3A_150, %parallel_loop3A_153 : vector<16xf32>
        %parallel_loop3A_155 = arith.index_cast %parallel_loop3A_127 : i32 to index
        %parallel_loop3A_156 = arith.constant 32 : index
        %parallel_loop3A_157 = tpu.vector_load %arg8[%parallel_loop3A_155, %parallel_loop3A_156] {strides = array<i32>} : memref<200x64xf32, #tpu.memory_space<vmem>>, vector<16xf32>,
        tpu.vector_store %arg8[%parallel_loop3A_155, %parallel_loop3A_156], %parallel_loop3A_154 {strides = array<i32>} : memref<200x64xf32, #tpu.memory_space<vmem>>, vector<16xf32>,
        %parallel_loop3A_158 = arith.index_cast %parallel_loop3A_127 : i32 to index
        %parallel_loop3A_159 = arith.constant 48 : index
        %parallel_loop3A_160 = tpu.vector_load %arg8[%parallel_loop3A_158, %parallel_loop3A_159] {strides = array<i32>} : memref<200x64xf32, #tpu.memory_space<vmem>>, vector<16xf32>,
        %parallel_loop3A_161 = arith.index_cast %parallel_loop3A_127 : i32 to index
        %parallel_loop3A_162 = arith.constant 48 : index
        %parallel_loop3A_163 = tpu.vector_load %arg9[%parallel_loop3A_161, %parallel_loop3A_162] {strides = array<i32>} : memref<200x64xf32, #tpu.memory_space<vmem>>, vector<16xf32>,
        %parallel_loop3A_164 = arith.addf %parallel_loop3A_160, %parallel_loop3A_163 : vector<16xf32>
        %parallel_loop3A_165 = arith.index_cast %parallel_loop3A_127 : i32 to index
        %parallel_loop3A_166 = arith.constant 48 : index
        %parallel_loop3A_167 = tpu.vector_load %arg8[%parallel_loop3A_165, %parallel_loop3A_166] {strides = array<i32>} : memref<200x64xf32, #tpu.memory_space<vmem>>, vector<16xf32>,
        tpu.vector_store %arg8[%parallel_loop3A_165, %parallel_loop3A_166], %parallel_loop3A_164 {strides = array<i32>} : memref<200x64xf32, #tpu.memory_space<vmem>>, vector<16xf32>,
      } {sc.loop_unroll_factor = 4 : i64, sc.parallel_access}
      %add3A_118 = arith.addi %mul3A_4, %add3A_85 : i32
      %dma_start3A_119 = arith.constant 0 : i32
      %dma_start3A_120 = arith.constant 0 : i32
      %dma_start3A_121 = tpu.memref_slice %arg5[%add3A_118, %dma_start3A_119, %dma_start3A_120] : memref<4096x200x64xf32, #tpu.memory_space<hbm>> -> memref<1x200x64xf32, #tpu.memory_space<hbm>>
      %dma_start3A_122 = tpu.memref_squeeze %dma_start3A_121 : memref<1x200x64xf32, #tpu.memory_space<hbm>> -> memref<200x64xf32, #tpu.memory_space<hbm>>
      %dma_start3A_123 = arith.constant 0 : i32
      %dma_start3A_124 = arith.constant 0 : i32
      %dma_start3A_125 = tpu.memref_slice %arg5[%add3A_118, %dma_start3A_123, %dma_start3A_124] : memref<4096x200x64xf32, #tpu.memory_space<hbm>> -> memref<1x200x64xf32, #tpu.memory_space<hbm>>
      %dma_start3A_126 = tpu.memref_squeeze %dma_start3A_125 : memref<1x200x64xf32, #tpu.memory_space<hbm>> -> memref<200x64xf32, #tpu.memory_space<hbm>>
      tpu.enqueue_dma source(%arg8 : memref<200x64xf32, #tpu.memory_space<vmem>>) target(%dma_start3A_126 : memref<200x64xf32, #tpu.memory_space<hbm>>) target_semaphore(%arg13 : memref<!tpu.dma_semaphore, #tpu.memory_space<semaphore_mem>>)
    }
    %scan3A_24 = arith.constant 64 : i32
    %dma_wait3A = arith.constant 0 : i32
    %dma_wait3A_25 = arith.constant 0 : i32
    %dma_wait3A_26 = arith.constant 0 : i32
    %dma_wait3A_27 = tpu.memref_slice %arg5[%dma_wait3A, %dma_wait3A_25, %dma_wait3A_26] : memref<4096x200x64xf32, #tpu.memory_space<hbm>> -> memref<1x200x64xf32, #tpu.memory_space<hbm>>
    %dma_wait3A_28 = tpu.memref_squeeze %dma_wait3A_27 : memref<1x200x64xf32, #tpu.memory_space<hbm>> -> memref<200x64xf32, #tpu.memory_space<hbm>>
    %dma_wait3A_29 = arith.constant 0 : i32
    %dma_wait3A_30 = arith.constant 0 : i32
    %dma_wait3A_31 = tpu.memref_slice %arg5[%dma_wait3A, %dma_wait3A_29, %dma_wait3A_30] : memref<4096x200x64xf32, #tpu.memory_space<hbm>> -> memref<1x200x64xf32, #tpu.memory_space<hbm>>
    %dma_wait3A_32 = tpu.memref_squeeze %dma_wait3A_31 : memref<1x200x64xf32, #tpu.memory_space<hbm>> -> memref<200x64xf32, #tpu.memory_space<hbm>>
    tpu.wait_dma2 semaphore(%arg12 : memref<!tpu.dma_semaphore, #tpu.memory_space<semaphore_mem>>) src(%arg7 : memref<200x64xf32, #tpu.memory_space<vmem>>) dst(%dma_wait3A_32 : memref<200x64xf32, #tpu.memory_space<hbm>>)
    %dma_wait3A_33 = arith.constant 0 : i32
    %dma_wait3A_34 = arith.constant 0 : i32
    %dma_wait3A_35 = arith.constant 0 : i32
    %dma_wait3A_36 = tpu.memref_slice %arg5[%dma_wait3A_33, %dma_wait3A_34, %dma_wait3A_35] : memref<4096x200x64xf32, #tpu.memory_space<hbm>> -> memref<1x200x64xf32, #tpu.memory_space<hbm>>
    %dma_wait3A_37 = tpu.memref_squeeze %dma_wait3A_36 : memref<1x200x64xf32, #tpu.memory_space<hbm>> -> memref<200x64xf32, #tpu.memory_space<hbm>>
    %dma_wait3A_38 = arith.constant 0 : i32
    %dma_wait3A_39 = arith.constant 0 : i32
    %dma_wait3A_40 = tpu.memref_slice %arg5[%dma_wait3A_33, %dma_wait3A_38, %dma_wait3A_39] : memref<4096x200x64xf32, #tpu.memory_space<hbm>> -> memref<1x200x64xf32, #tpu.memory_space<hbm>>
    %dma_wait3A_41 = tpu.memref_squeeze %dma_wait3A_40 : memref<1x200x64xf32, #tpu.memory_space<hbm>> -> memref<200x64xf32, #tpu.memory_space<hbm>>
    tpu.wait_dma2 semaphore(%arg13 : memref<!tpu.dma_semaphore, #tpu.memory_space<semaphore_mem>>) src(%arg8 : memref<200x64xf32, #tpu.memory_space<vmem>>) dst(%dma_wait3A_41 : memref<200x64xf32, #tpu.memory_space<hbm>>)
    return
  }
}

</mosaic_0001>

<sc_bundles>
// kernel: kernel.3.cloned.1.call-start
scs
__scs_entry_jumppad:
0x0: {  	(pc) =	sbr.rel $0x88, $3  }
0x1: {  	(tag) =	ssettag $0x0;
	lr =	simm.s32 $0x1  }
0x2: {  	[smem:$0x3F9E] =	sst lr;
	_ =	strace $0xD0000000  }
0x3: {  	_ = 	snop  }
0x4: {  	_ = 	snop  }
0x5: {  	_ = 	snop  }
0x6: {  	_ = 	snop  }
0x7: {  	_ = 	snop  }
__scs_overlays_trampoline_lowered:
0x8: {  	[smem:$0x3FAD] =	sst s0  }
0x9: {  	[smem:$0x3FAE] =	sst s1  }
0xa: {  	[smem:$0x3FAF] =	sst s2  }
0xb: {  	[smem:$0x3FB0] =	sst s3  }
0xc: {  	[smem:$0x3FB1] =	sst s4  }
0xd: {  	[smem:$0x3FB2] =	sst s5  }
0xe: {  	[smem:$0x3FB3] =	sst s6  }
0xf: {  	[smem:$0x3FB4] =	sst s7  }
0x10: {  	[smem:$0x3FB5] =	sst s8  }
0x11: {  	[smem:$0x3FB6] =	sst s9;
	s0 =	simm.s32 @!p0 $0x0  }
0x12: {  	s1 =	sld [smem:$0x3F9C];
	s0 =	simm.s32 @p0 $0x1  }
0x13: {  	[smem:$0x3FB7] =	sst s0;
	s0 =	simm.s32 @!p1 $0x0  }
0x14: {  	s2 =	sld [smem:$0x3F9B];
	s0 =	simm.s32 @p1 $0x1  }
0x15: {  	[smem:$0x3FB8] =	sst s0;
	s0 =	simm.s32 @!p2 $0x0  }
0x16: {  	s3 =	sld [smem:$0x3FDB];
	s0 =	simm.s32 @p2 $0x1  }
0x17: {  	s4 =	simm.s32 $0x1BF5;
	[smem:$0x3FBA] =	sst s0  }
0x18: {  	s0 =	sld [smem:$0x3F9D];
	_ =	swait.ge [sflag:s4], $0x0  }
0x19: {  	s7 =	sld [smem:$0x3F9E]  }
0x1a: {  	s8 =	sadd.s32 $0xFFFFE003, lr  }
0x1b: {  	s9 =	sadd.s32 $0xFFFFFEF7, lr;
	s5 =	simm.s32 $0xFFFFFFFF;
	p2 =	slt.u32 s8, $0xFFFFF086  }
0x1c: {  	p1 =	slt.u32 s9, $0xF7A;
	s5 =	simm.s32 @!p2 $0x0  }
0x1d: {  	s5 =	simm.s32 @p1 $0x1;
	p0 =	seq.s32 s7, s2  }
0x1e: {  	s7 =	smul.u32 @!p0 $0xF7A, s2;
	p2 =	seq.s32 @!p0 s5, $0x0  }
0x1f: {  	s9 =	smul.u32 $0xF7A, s1;
	s8 =	simm.s32 @!p0 $0x1BF5;
	p2 =	por !p2, p0  }
0x20: {  	[sflag:s8] =	ssyncset.s32 @!p0 $0xFFFFF086;
	s6 =	sadd.s32 @!p0 s3, s7;
	s7 =	simm.s32 @!p0 $0x108  }
0x21: {  	s3 =	sadd.s32 s3, s9;
	s6 =	sadd.s32 @!p0 $0x88, s6;
	s7 =	simm.s32 @p2 $0x1082  }
0x22: {  	[simem:s7], [sflag:s8] =	dma.local @!p0 [hbm:s6], $0xF7A  }
0x23: {  	s9 =	sor.u32 $0xD0000000, s2;
	s6 =	simm.s32 $0x108;
	_ =	swait.ge @!p0 [sflag:s8], $0x0  }
0x24: {  	s3 =	sadd.s32 $0x88, s3;
	s6 =	simm.s32 @!p1 $0x1082;
	[sflag:s4] =	ssyncset.s32 $0xFFFFF086  }
0x25: {  	[simem:s6], [sflag:s4] =	dma.local [hbm:s3], $0xF7A  }
0x26: {  	[smem:$0x3F9E] =	sst s1;
	(tag) =	ssettag s2;
	_ =	strace s9  }
0x27: {  	s1 =	sld [smem:$0x3FAE]  }
0x28: {  	s2 =	sld [smem:$0x3FAF]  }
0x29: {  	s4 =	sld [smem:$0x3FB1]  }
0x2a: {  	p0 =	seq.s32 s5, $0x0;
	s5 =	sld [smem:$0x3FB2]  }
0x2b: {  	s6 =	sld [smem:$0x3FB3]  }
0x2c: {  	s7 =	sld [smem:$0x3FB4]  }
0x2d: {  	s3 =	simm.s32 $0x108;
	s8 =	sld [smem:$0x3FB5]  }
0x2e: {  	s3 =	simm.s32 @!p0 $0x1082;
	s9 =	sld [smem:$0x3FB6]  }
0x2f: {  	lr =	sadd.s32 s0, s3;
	s0 =	sld [smem:$0x3FAD]  }
0x30: {  	s3 =	sld [smem:$0x3FB0]  }
0x31: {  	[smem:$0x3FB9] =	sst s10  }
0x32: {  	s10 =	sld [smem:$0x3FB7];
	_ =	sdelay $0x3  }
0x33: {  	p0 =	seq.s32 s10, $0x1;
	s10 =	sld [smem:$0x3FB9];
	_ =	sdelay $0x3  }
0x34: {  	[smem:$0x3FB9] =	sst s10  }
0x35: {  	s10 =	sld [smem:$0x3FB8];
	_ =	sdelay $0x3  }
0x36: {  	p1 =	seq.s32 s10, $0x1;
	s10 =	sld [smem:$0x3FB9];
	_ =	sdelay $0x3  }
0x37: {  	[smem:$0x3FB9] =	sst s10  }
0x38: {  	s10 =	sld [smem:$0x3FBA]  }
0x39: {  	_ = 	snop;
	(pc) =	sbr.ind lr, $3  }
0x3a: {  	_ = 	snop  }
0x3b: {  	_ = 	snop  }
0x3c: {  	p2 =	seq.s32 s10, $0x1;
	s10 =	sld [smem:$0x3FB9]  }
0x3d: {  	_ =	shalt  }
0x3e: {  	_ =	shalt  }
0x3f: {  	_ =	shalt  }
0x40: {  	_ =	shalt  }
0x41: {  	_ =	shalt  }
0x42: {  	_ =	shalt  }
0x43: {  	_ =	shalt  }
0x44: {  	_ =	shalt  }
0x45: {  	_ =	shalt  }
0x46: {  	_ =	shalt  }
0x47: {  	_ =	shalt  }
0x48: {  	_ =	shalt  }
0x49: {  	_ =	shalt  }
0x4a: {  	_ =	shalt  }
0x4b: {  	_ =	shalt  }
0x4c: {  	_ =	shalt  }
0x4d: {  	_ =	shalt  }
0x4e: {  	_ =	shalt  }
0x4f: {  	_ =	shalt  }
0x50: {  	_ =	shalt  }
0x51: {  	_ =	shalt  }
0x52: {  	_ =	shalt  }
0x53: {  	_ =	shalt  }
0x54: {  	_ =	shalt  }
0x55: {  	_ =	shalt  }
0x56: {  	_ =	shalt  }
0x57: {  	_ =	shalt  }
0x58: {  	_ =	shalt  }
0x59: {  	_ =	shalt  }
0x5a: {  	_ =	shalt  }
0x5b: {  	_ =	shalt  }
0x5c: {  	_ =	shalt  }
0x5d: {  	_ =	shalt  }
0x5e: {  	_ =	shalt  }
0x5f: {  	_ =	shalt  }
0x60: {  	_ =	shalt  }
0x61: {  	_ =	shalt  }
0x62: {  	_ =	shalt  }
0x63: {  	_ =	shalt  }
0x64: {  	_ =	shalt  }
0x65: {  	_ =	shalt  }
0x66: {  	_ =	shalt  }
0x67: {  	_ =	shalt  }
0x68: {  	_ =	shalt  }
0x69: {  	_ =	shalt  }
0x6a: {  	_ =	shalt  }
0x6b: {  	_ =	shalt  }
0x6c: {  	_ =	shalt  }
0x6d: {  	_ =	shalt  }
0x6e: {  	_ =	shalt  }
0x6f: {  	_ =	shalt  }
0x70: {  	_ =	shalt  }
0x71: {  	_ =	shalt  }
0x72: {  	_ =	shalt  }
0x73: {  	_ =	shalt  }
0x74: {  	_ =	shalt  }
0x75: {  	_ =	shalt  }
0x76: {  	_ =	shalt  }
0x77: {  	_ =	shalt  }
0x78: {  	_ =	shalt  }
0x79: {  	_ =	shalt  }
0x7a: {  	_ =	shalt  }
0x7b: {  	_ =	shalt  }
0x7c: {  	_ =	shalt  }
0x7d: {  	_ =	shalt  }
0x7e: {  	_ =	shalt  }
0x7f: {  	_ =	shalt  }
0x80: {  	_ =	shalt  }
0x81: {  	_ =	shalt  }
0x82: {  	_ =	shalt  }
0x83: {  	_ =	shalt  }
0x84: {  	_ =	shalt  }
0x85: {  	_ =	shalt  }
0x86: {  	_ =	shalt  }
0x87: {  	_ =	shalt  }
.Lfunc_end0:
.L_simem_size_0:
called_computation.1_lowered:
.L_overlay_start_0:
0x88: {  	s2 =	sld [smem:$0x3FD9]  }
0x89: {  	s3 =	sld [smem:$0x3FFE];
	_ =	sdelay $0x1  }
0x8a: {  	s1 =	srdreg.scid  }
0x8b: {  	s0 =	sand.u32 $0x1, s1  }
0x8c: {  	s17 =	sshll.u32 s0, $0xA;
	s2 =	sadd.s32 s3, s2  }
0x8d: {  	s2 =	sadd.s32 s2, s17  }
0x8e: {  	[smem:$0x3FC5] =	sst s2  }
0x8f: {  	_ = 	snop  }
0x90: {  	s2 =	sld [smem:$0x3FD0];
	(tm) =	ssettm $0x1  }
0x91: {  	s18 =	sld [smem:$0x3FFB];
	_ =	sdelay $0x3  }
0x92: {  	_ =	strace s18  }
0x93: {  	s3 =	sld [smem:$0x3FFC];
	_ =	sdelay $0x3  }
0x94: {  	_ =	strace s3  }
0x95: {  	s3 =	sld [smem:$0x3FFD];
	_ =	sdelay $0x3  }
0x96: {  	_ =	strace s3  }
0x97: {  	_ =	strace $0x8FFFFFFF  }
0x98: {  	s19 =	sld [smem:$0x3FDB];
	_ =	sdelay $0x1  }
0x99: {  	s4 =	simm.s32 $_scs_section_size  }
0x9a: {  	s5 =	simm.s32 $_size__tile_overlayer_lowered;
	s6 =	simm.s32 $_tile_overlayer_lowered  }
0x9b: {  	s22 =	simm.s32 $0x1BFF;
	s21 =	sshll.u32 s6, $0x1;
	s3 =	sadd.s32 s4, s19  }
0x9c: {  	s7 =	simm.s32 $0x0;
	s20 =	sshll.u32 s5, $0x1;
	s5 =	sadd.s32 s21, s3  }
0x9d: {  	[timem:s7], [sflag:s22] =	dma.local [hbm:s5], s20  }
0x9e: {  	_ =	swait.ge [sflag:s22], s20  }
0x9f: {  	s4 =	ssub.s32 $0x0, s20;
	[sflag:s22] =	ssyncset.done $0x0  }
0xa0: {  	[sflag:s22] =	ssyncadd.s32 s4;
	_ =	sdelay $0x1  }
0xa1: {  	s23 =	simm.s32 $0x1B8B  }
0xa2: {  	_ =	swait.ge [sflag:s23], $0x1  }
0xa3: {  	[sflag:s23] =	ssyncset.done $0x0  }
0xa4: {  	s25 =	simm.s32 $0x1B8E;
	s24 =	sld [smem:$0x3FFE];
	[sflag:s23] =	ssyncadd.s32 $0xFFFFFFFF  }
0xa5: {  	s26 =	simm.s32 $execute0_lowered;
	[smem:$0x3FD2] =	sst s25  }
0xa6: {  	s5 =	sshll.u32 s26, $0x1;
	_ =	strace $0x80000046;
	[dreg:$0x1] =	wrdreg $0xFFFFFFFF  }
0xa7: {  	s28 =	simm.s32 $_size_execute0_lowered;
	s3 =	sadd.s32 s3, s5;
	[dreg:$0x0] =	wrdreg $0x0  }
0xa8: {  	s5 =	sshll.u32 s28, $0x1;
	[dreg:$0x2] =	wrdreg s3  }
0xa9: {  	[dreg:$0x3] =	wrdreg s5  }
0xaa: {  	[dreg:$0x4] =	wrdreg $0xC0  }
0xab: {  	_ =	task [dreg:s7], $0x5FFFF  }
0xac: {  	[dreg:$0x1] =	wrdreg $0xFFFFFFFF  }
0xad: {  	[dreg:$0x0] =	wrdreg $0x60  }
0xae: {  	[dreg:$0x2] =	wrdreg s24  }
0xaf: {  	[dreg:$0x3] =	wrdreg s2  }
0xb0: {  	[dreg:$0x4] =	wrdreg $0x9  }
0xb1: {  	_ =	task.clear_ibuf [dreg:s7], $0x5FFFF;
	_ =	strace $0x90000046  }
0xb2: {  	s29 =	simm.s32 $0x9;
	_ =	strace $0x80000048  }
0xb3: {  	_ =	swait.ge [sflag:s29], $0x1  }
0xb4: {  	[sflag:s29] =	ssyncadd.s32 $0xFFFFFFFF  }
0xb5: {  	_ =	strace $0x90000048  }
0xb6: {  	_ =	sfence  }
0xb7: {  	s30 =	sld [smem:$0x0];
	_ =	sdelay $0x2  }
0xb8: {  	s31 =	sshll.u32 s1, $0xD;
	s1 =	sshrl.u32 s1, $0x2  }
0xb9: {  	s3 =	sand.u32 $0x4000, s31;
	s1 =	sadd.s32 s1, s30  }
0xba: {  	s0 =	sor.u32 s3, s0;
	s1 =	sshll.u32 s1, $0x11  }
0xbb: {  	s0 =	sor.u32 s1, s0  }
0xbc: {  	s0 =	sadd.s32 $0x8F2B, s0  }
0xbd: {  	[sflag:s0] =	ssyncadd.remote.s32 $0x1  }
0xbe: {  	_ =	sfence.sel $0xFFFF  }
0xbf: {  	[dreg:$0x0] =	wrdreg $0xFFFFFFFF;
	(pc) =	sbr.abs _section_cstart, $3  }
0xc0: {  	[dreg:$0x1] =	wrdreg $0xFFFFFFFF  }
0xc1: {  	_ =	task.clear_ibuf [dreg:s7], $0x2FFFF;
	_ =	strace $0x9FFFFFFF  }
0xc2: {  	(tm) =	ssettm $0x7FFFFFFF  }
0xc3: {  	_ =	shalt  }
tec
execute0_lowered:
.L_overlay_start_1:
0x0: {  	(tag) =	ssettag $0x1  }
0x1: {  	s5 =	rddreg [dreg:$0x0];
	s1 =	srdreg.scid  }
0x2: {  	s0 =	stileid.u32;
	s2 =	rddreg [dreg:$0x1]  }
0x3: {  	s3 =	simm.s32 $0x0;
	s10 =	simm.s32 $0xC800;
	s11 =	simm.s32 $0x80  }
0x4: {  	s12 =	simm.s32 $0x6400;
	s13 =	simm.s32 $0x48;
	s14 =	simm.s32 $0x8400  }
0x5: {  	s15 =	simm.s32 $0x9600;
	s16 =	simm.s32 $0xB600;
	s17 =	simm.s32 $0x1  }
0x6: {  	s18 =	simm.s32 $0x2;
	s19 =	simm.s32 $0x3;
	s20 =	simm.s32 $0x4  }
0x7: {  	s4 =	sand.u32 $0x1, s1;
	s6 =	sshll.u32 s0, $0x1;
	s1 =	rddreg [dreg:$0x2]  }
0x8: {  	s21 =	simm.s32 $0x0;
	[smem:$0x7FF] =	sst s3;
	s6 =	sor.u32 s4, s6  }
0x9: {  	_ =	strace $0x80000047;
	s8 =	ssub.s32 $0x2, s4;
	s7 =	smul.u32 $0xC80, s6  }
0xa: {  	s4 =	sadd.s32 $0xF43000, s5;
	s9 =	sshrl.u32 s8, $0x1;
	s6 =	sshll.u32 s6, $0x7  }
0xb: {  	s8 =	ssub.s32 s8, s9;
	s9 =	simm.s32 $0x5;
	s7 =	sadd.s32 s7, s5  }
0xc: {  	s5 =	sadd.s32 $0x19C00, s5;
	s8 =	smax.u32 s8, $0x1;
	s7 =	sadd.s32 $0xC00, s7  }
.LBB2_1:
0xd: {  	[tilespmem:s3], [sflag:$0x5] =	stream.linear.gather [hbm4b:s7+s3], $0x6400, $0x38;
	[tilespmem:$0xFA00] =	vst v63  }
0xe: {  	_ =	swait.ge [sflag:s9], $0x6400  }
0xf: {  	[sflag:s9] =	ssyncset.done $0x0  }
0x10: {  	[sflag:s9] =	ssyncadd.s32 $0xFFFF9C00  }
0x11: {  	[tilespmem:s10], [sflag:$0x5] =	stream.linear.gather [hbm4b:s5+s3], $0x3200, $0x38;
	[tilespmem:$0xFA00] =	vst v63  }
0x12: {  	_ =	swait.ge [sflag:s9], $0x3200  }
0x13: {  	[sflag:s9] =	ssyncset.done $0x0  }
0x14: {  	[sflag:s9] =	ssyncadd.s32 $0xFFFFCE00  }
0x15: {  	[tilespmem:s12], [sflag:$0x1] =	stream.indirect.gather [hbm4b:s4+s11], $0x40, s3, s11, $0xb8;
	[tilespmem:$0xFA00] =	vst v63  }
0x16: {  	s22 =	simm.s32 $0x0  }
0x17: {  	[tilespmem:s14], [sflag:$0x1] =	stream.indirect.gather [hbm4b:s4+s13], $0x40, s11, s13, $0xb8;
	[tilespmem:$0xFA00] =	vst v63  }
.LBB2_2:
0x18: {  	p0 =	seq.s32 s22, $0x0  }
0x19: {  	s23 =	sshllo.u32 s22, $0x1;
	s24 =	simm.s32 @!p0 $0x4  }
0x1a: {  	s25 =	smul.u32 $0x320, s23;
	_ =	swait.ge @!p0 [sflag:s24], $0x3200  }
0x1b: {  	[sflag:s24] =	ssyncset.done @!p0 $0x0  }
0x1c: {  	s31 =	sshra.s32 s25, $0x2;
	[sflag:s24] =	ssyncadd.s32 @!p0 $0xFFFFCE00  }
0x1d: {  	[tilespmem:s15], [sflag:$0x2] =	stream.indirect.gather [hbm4b:s4+s11], $0x40, s31, s11, $0xb8;
	[tilespmem:$0xFA00] =	vst v63  }
0x1e: {  	s24 =	sadd.s32 $0x80, s31  }
0x1f: {  	[tilespmem:s16], [sflag:$0x2] =	stream.indirect.gather [hbm4b:s4+s13], $0x40, s24, s13, $0xb8;
	[tilespmem:$0xFA00] =	vst v63  }
0x20: {  	_ =	swait.ge [sflag:s17], $0x2000  }
0x21: {  	[sflag:s17] =	ssyncset.done $0x0  }
0x22: {  	[sflag:s17] =	ssyncadd.s32 $0xFFFFE000  }
0x23: {  	_ =	swait.ge [sflag:s17], $0x1200  }
0x24: {  	[sflag:s17] =	ssyncset.done $0x0  }
0x25: {  	s24 =	simm.s32 $0x6480;
	[sflag:s17] =	ssyncadd.s32 $0xFFFFEE00  }
0x26: {  	s25 =	simm.s32 $0xC880;
	v0 =	vld [tilespmem:s24+$0x40]  }
0x27: {  	v1 =	vld [tilespmem:s25+$0x40]  }
0x28: {  	v2 =	vld [tilespmem:s24+$0xFFFFFFC0]  }
0x29: {  	v3 =	vld [tilespmem:s25+$0xFFFFFFC0]  }
0x2a: {  	v4 =	vld [tilespmem:s24+$0x0]  }
0x2b: {  	v5 =	vld [tilespmem:s25+$0x0]  }
0x2c: {  	v6 =	vld [tilespmem:s24+$0xFFFFFF80];
	v0 =	vadd.f32 v1, v0  }
0x2d: {  	v1 =	vld [tilespmem:s25+$0xFFFFFF80]  }
0x2e: {  	[tilespmem:s24+$0x40] =	vst v0;
	v0 =	vld [tilespmem:s24+$0x50]  }
0x2f: {  	v2 =	vadd.f32 v3, v2;
	v3 =	vld [tilespmem:s25+$0x50]  }
0x30: {  	v7 =	vld [tilespmem:s24+$0xFFFFFF90]  }
0x31: {  	[tilespmem:s24+$0xFFFFFFC0] =	vst v2;
	v2 =	vadd.f32 v5, v4;
	v4 =	vld [tilespmem:s24+$0xFFFFFFD0]  }
0x32: {  	v5 =	vld [tilespmem:s25+$0xFFFFFFD0];
	v1 =	vadd.f32 v1, v6  }
0x33: {  	[tilespmem:s24+$0x0] =	vst v2;
	v2 =	vld [tilespmem:s24+$0x10]  }
0x34: {  	v6 =	vld [tilespmem:s25+$0x10];
	[tilespmem:s24+$0xFFFFFF80] =	vst v1;
	v0 =	vadd.f32 v3, v0  }
0x35: {  	v1 =	vld [tilespmem:s25+$0xFFFFFF90]  }
0x36: {  	[tilespmem:s24+$0x50] =	vst v0;
	v0 =	vld [tilespmem:s24+$0x60]  }
0x37: {  	v3 =	vadd.f32 v5, v4;
	v4 =	vld [tilespmem:s25+$0x60]  }
0x38: {  	v5 =	vld [tilespmem:s24+$0xFFFFFFA0]  }
0x39: {  	[tilespmem:s24+$0xFFFFFFD0] =	vst v3;
	v2 =	vadd.f32 v6, v2;
	v3 =	vld [tilespmem:s24+$0xFFFFFFE0]  }
0x3a: {  	v6 =	vld [tilespmem:s25+$0xFFFFFFE0];
	v1 =	vadd.f32 v1, v7  }
0x3b: {  	[tilespmem:s24+$0x10] =	vst v2;
	v2 =	vld [tilespmem:s24+$0x20]  }
0x3c: {  	v7 =	vld [tilespmem:s25+$0x20];
	[tilespmem:s24+$0xFFFFFF90] =	vst v1;
	v0 =	vadd.f32 v4, v0  }
0x3d: {  	v4 =	vld [tilespmem:s25+$0xFFFFFFA0]  }
0x3e: {  	v8 =	vld [tilespmem:s24+$0x70];
	[tilespmem:s24+$0x60] =	vst v0  }
0x3f: {  	v1 =	vadd.f32 v6, v3;
	v6 =	vld [tilespmem:s25+$0x70]  }
0x40: {  	v0 =	vld [tilespmem:s24+$0xFFFFFFB0]  }
0x41: {  	[tilespmem:s24+$0xFFFFFFE0] =	vst v1;
	v2 =	vadd.f32 v7, v2;
	v1 =	vld [tilespmem:s24+$0xFFFFFFF0]  }
0x42: {  	v3 =	vld [tilespmem:s25+$0xFFFFFFF0];
	v4 =	vadd.f32 v4, v5  }
0x43: {  	[tilespmem:s24+$0x20] =	vst v2;
	v2 =	vld [tilespmem:s24+$0x30]  }
0x44: {  	[tilespmem:s24+$0xFFFFFFA0] =	vst v4;
	v4 =	vld [tilespmem:s25+$0x30];
	v6 =	vadd.f32 v6, v8  }
0x45: {  	s26 =	sshll.u32 s22, $0x1;
	s28 =	simm.s32 $0x0;
	s29 =	simm.s32 $0x6580;
	v5 =	vld [tilespmem:s25+$0xFFFFFFB0]  }
.LBB2_3:
0x46: {  	v7 =	vld [tilespmem:s29+$0x40];
	[tilespmem:s24+$0x70] =	vst v6;
	s25 =	sadd.s32 $0x100, s25  }
0x47: {  	s28 =	sadd.s32 $0x4, s28;
	v6 =	vld [tilespmem:s25+$0x40];
	v1 =	vadd.f32 v3, v1  }
0x48: {  	p0 =	slt.u32 s28, $0xC4;
	v3 =	vld [tilespmem:s25+$0xFFFFFF80]  }
0x49: {  	v8 =	vld [tilespmem:s29+$0xFFFFFFC0];
	[tilespmem:s24+$0xFFFFFFF0] =	vst v1;
	v1 =	vadd.f32 v4, v2  }
0x4a: {  	v2 =	vld [tilespmem:s25+$0xFFFFFFC0];
	v0 =	vadd.f32 v5, v0  }
0x4b: {  	v4 =	vld [tilespmem:s29+$0x0];
	[tilespmem:s24+$0x30] =	vst v1  }
0x4c: {  	v1 =	vld [tilespmem:s25+$0x0];
	v5 =	vadd.f32 v6, v7;
	[tilespmem:s24+$0xFFFFFFB0] =	vst v0;
	s24 =	smov.u32 s29  }
0x4d: {  	v0 =	vld [tilespmem:s29+$0xFFFFFF80]  }
0x4e: {  	[tilespmem:s29+$0x40] =	vst v5;
	v5 =	vld [tilespmem:s29+$0x50]  }
0x4f: {  	v2 =	vadd.f32 v2, v8;
	v6 =	vld [tilespmem:s25+$0x50]  }
0x50: {  	v7 =	vld [tilespmem:s29+$0xFFFFFF90]  }
0x51: {  	[tilespmem:s29+$0xFFFFFFC0] =	vst v2;
	v2 =	vld [tilespmem:s29+$0xFFFFFFD0];
	v1 =	vadd.f32 v1, v4  }
0x52: {  	v0 =	vadd.f32 v3, v0;
	v3 =	vld [tilespmem:s25+$0xFFFFFFD0]  }
0x53: {  	[tilespmem:s29+$0x0] =	vst v1;
	v1 =	vld [tilespmem:s29+$0x10]  }
0x54: {  	[tilespmem:s29+$0xFFFFFF80] =	vst v0;
	v0 =	vld [tilespmem:s25+$0x10];
	v4 =	vadd.f32 v6, v5  }
0x55: {  	v5 =	vld [tilespmem:s25+$0xFFFFFF90]  }
0x56: {  	[tilespmem:s29+$0x50] =	vst v4;
	v4 =	vld [tilespmem:s29+$0x60]  }
0x57: {  	v2 =	vadd.f32 v3, v2;
	v3 =	vld [tilespmem:s25+$0x60]  }
0x58: {  	v6 =	vld [tilespmem:s29+$0xFFFFFFA0]  }
0x59: {  	[tilespmem:s29+$0xFFFFFFD0] =	vst v2;
	v2 =	vld [tilespmem:s29+$0xFFFFFFE0];
	v0 =	vadd.f32 v0, v1  }
0x5a: {  	v1 =	vadd.f32 v5, v7;
	v5 =	vld [tilespmem:s25+$0xFFFFFFE0]  }
0x5b: {  	[tilespmem:s29+$0x10] =	vst v0;
	v7 =	vld [tilespmem:s29+$0x20]  }
0x5c: {  	[tilespmem:s29+$0xFFFFFF90] =	vst v1;
	v8 =	vld [tilespmem:s25+$0x20];
	v0 =	vadd.f32 v3, v4  }
0x5d: {  	v3 =	vld [tilespmem:s25+$0xFFFFFFA0]  }
0x5e: {  	[tilespmem:s29+$0x60] =	vst v0;
	v9 =	vld [tilespmem:s29+$0x70]  }
0x5f: {  	v1 =	vadd.f32 v5, v2;
	v5 =	vld [tilespmem:s25+$0x70]  }
0x60: {  	v0 =	vld [tilespmem:s29+$0xFFFFFFB0]  }
.Ltmp0:
0x61: {  	[tilespmem:s29+$0xFFFFFFE0] =	vst v1;
	v1 =	vld [tilespmem:s29+$0xFFFFFFF0];
	v2 =	vadd.f32 v8, v7;
	(pc) =	sbr.rel @p0 .LBB2_3-.Ltmp0, $4  }
0x62: {  	v4 =	vadd.f32 v3, v6;
	v3 =	vld [tilespmem:s25+$0xFFFFFFF0]  }
0x63: {  	[tilespmem:s29+$0x20] =	vst v2;
	v2 =	vld [tilespmem:s29+$0x30]  }
0x64: {  	[tilespmem:s29+$0xFFFFFFA0] =	vst v4;
	v4 =	vld [tilespmem:s25+$0x30];
	v6 =	vadd.f32 v5, v9  }
0x65: {  	s29 =	sadd.s32 $0x100, s29;
	v5 =	vld [tilespmem:s25+$0xFFFFFFB0]  }
0x66: {  	_ =	sdelay $0x1  }
0x67: {  	v1 =	vadd.f32 v3, v1  }
0x68: {  	[tilespmem:s24+$0x70] =	vst v6;
	s25 =	sadd.s32 s6, s26;
	v2 =	vadd.f32 v4, v2  }
0x69: {  	s25 =	smul.u32 $0x640, s25;
	[tilespmem:s24+$0xFFFFFFF0] =	vst v1;
	v0 =	vadd.f32 v5, v0  }
0x6a: {  	p0 =	seq.s32 s22, $0x3F;
	[tilespmem:s24+$0x30] =	vst v2  }
0x6b: {  	s31 =	sadd.s32 s2, s25;
	[tilespmem:s24+$0xFFFFFFB0] =	vst v0;
	s24 =	simm.s32 @!p0 $0x3  }
0x6c: {  	[hbm4b:s31+s3] =	stream.linear.scatter [tilespmem:s12], [sflag:$0x3], $0x3200, $0x38;
	[tilespmem:$0xFA00] =	vst v63  }
0x6d: {  	s25 =	smul.u32 @!p0 $0x640, s22;
	_ =	swait.ge @!p0 [sflag:s24], $0x3200  }
0x6e: {  	[sflag:s24] =	ssyncset.done @!p0 $0x0  }
0x6f: {  	[sflag:s24] =	ssyncadd.s32 @!p0 $0xFFFFCE00;
	s24 =	sshra.s32 @!p0 s25, $0x2  }
0x70: {  	s26 =	simm.s32 @!p0 $0x80;
	s28 =	simm.s32 @!p0 $0x6400;
	s25 =	sadd.s32 @!p0 $0x190, s24  }
0x71: {  	[tilespmem:s28], [sflag:$0x1] =	stream.indirect.gather @!p0 [hbm4b:s4+s26], $0x40, s25, s26, $0xb8;
	[tilespmem:$0xFA00] =	vst v63  }
0x72: {  	s24 =	sadd.s32 @!p0 $0x210, s24;
	s25 =	simm.s32 @!p0 $0x48;
	s26 =	simm.s32 @!p0 $0x8400  }
0x73: {  	[tilespmem:s26], [sflag:$0x1] =	stream.indirect.gather @!p0 [hbm4b:s4+s25], $0x40, s24, s25, $0xb8;
	[tilespmem:$0xFA00] =	vst v63  }
0x74: {  	_ =	swait.ge [sflag:s18], $0x2000  }
0x75: {  	[sflag:s18] =	ssyncset.done $0x0  }
0x76: {  	[sflag:s18] =	ssyncadd.s32 $0xFFFFE000  }
0x77: {  	_ =	swait.ge [sflag:s18], $0x1200  }
0x78: {  	[sflag:s18] =	ssyncset.done $0x0  }
0x79: {  	s24 =	simm.s32 $0x9680;
	[sflag:s18] =	ssyncadd.s32 $0xFFFFEE00  }
0x7a: {  	s25 =	simm.s32 $0xC880;
	v0 =	vld [tilespmem:s24+$0x40]  }
0x7b: {  	v1 =	vld [tilespmem:s25+$0x40]  }
0x7c: {  	v2 =	vld [tilespmem:s24+$0xFFFFFFC0]  }
0x7d: {  	v3 =	vld [tilespmem:s25+$0xFFFFFFC0]  }
0x7e: {  	v4 =	vld [tilespmem:s24+$0x0]  }
0x7f: {  	v5 =	vld [tilespmem:s25+$0x0]  }
0x80: {  	v6 =	vld [tilespmem:s24+$0xFFFFFF80];
	v0 =	vadd.f32 v1, v0  }
0x81: {  	v1 =	vld [tilespmem:s25+$0xFFFFFF80]  }
0x82: {  	[tilespmem:s24+$0x40] =	vst v0;
	v0 =	vld [tilespmem:s24+$0x50]  }
0x83: {  	v2 =	vadd.f32 v3, v2;
	v3 =	vld [tilespmem:s25+$0x50]  }
0x84: {  	v7 =	vld [tilespmem:s24+$0xFFFFFF90]  }
0x85: {  	[tilespmem:s24+$0xFFFFFFC0] =	vst v2;
	v2 =	vadd.f32 v5, v4;
	v4 =	vld [tilespmem:s24+$0xFFFFFFD0]  }
0x86: {  	v5 =	vld [tilespmem:s25+$0xFFFFFFD0];
	v1 =	vadd.f32 v1, v6  }
0x87: {  	[tilespmem:s24+$0x0] =	vst v2;
	v2 =	vld [tilespmem:s24+$0x10]  }
0x88: {  	v6 =	vld [tilespmem:s25+$0x10];
	[tilespmem:s24+$0xFFFFFF80] =	vst v1;
	v0 =	vadd.f32 v3, v0  }
0x89: {  	v1 =	vld [tilespmem:s25+$0xFFFFFF90]  }
0x8a: {  	[tilespmem:s24+$0x50] =	vst v0;
	v0 =	vld [tilespmem:s24+$0x60]  }
0x8b: {  	v3 =	vadd.f32 v5, v4;
	v4 =	vld [tilespmem:s25+$0x60]  }
0x8c: {  	v5 =	vld [tilespmem:s24+$0xFFFFFFA0]  }
0x8d: {  	[tilespmem:s24+$0xFFFFFFD0] =	vst v3;
	v2 =	vadd.f32 v6, v2;
	v3 =	vld [tilespmem:s24+$0xFFFFFFE0]  }
0x8e: {  	v6 =	vld [tilespmem:s25+$0xFFFFFFE0];
	v1 =	vadd.f32 v1, v7  }
0x8f: {  	[tilespmem:s24+$0x10] =	vst v2;
	v2 =	vld [tilespmem:s24+$0x20]  }
0x90: {  	v7 =	vld [tilespmem:s25+$0x20];
	[tilespmem:s24+$0xFFFFFF90] =	vst v1;
	v0 =	vadd.f32 v4, v0  }
0x91: {  	v4 =	vld [tilespmem:s25+$0xFFFFFFA0]  }
0x92: {  	v8 =	vld [tilespmem:s24+$0x70];
	[tilespmem:s24+$0x60] =	vst v0  }
0x93: {  	v1 =	vadd.f32 v6, v3;
	v6 =	vld [tilespmem:s25+$0x70]  }
0x94: {  	v0 =	vld [tilespmem:s24+$0xFFFFFFB0]  }
0x95: {  	[tilespmem:s24+$0xFFFFFFE0] =	vst v1;
	v2 =	vadd.f32 v7, v2;
	v1 =	vld [tilespmem:s24+$0xFFFFFFF0]  }
0x96: {  	v3 =	vld [tilespmem:s25+$0xFFFFFFF0];
	v4 =	vadd.f32 v4, v5  }
0x97: {  	[tilespmem:s24+$0x20] =	vst v2;
	v2 =	vld [tilespmem:s24+$0x30]  }
0x98: {  	[tilespmem:s24+$0xFFFFFFA0] =	vst v4;
	v4 =	vld [tilespmem:s25+$0x30];
	v6 =	vadd.f32 v6, v8  }
0x99: {  	s28 =	simm.s32 $0x9780;
	s26 =	simm.s32 $0x0;
	v5 =	vld [tilespmem:s25+$0xFFFFFFB0]  }
.LBB2_5:
0x9a: {  	v7 =	vld [tilespmem:s28+$0x40];
	[tilespmem:s24+$0x70] =	vst v6;
	s25 =	sadd.s32 $0x100, s25  }
0x9b: {  	s26 =	sadd.s32 $0x4, s26;
	v6 =	vld [tilespmem:s25+$0x40];
	v1 =	vadd.f32 v3, v1  }
0x9c: {  	p0 =	slt.u32 s26, $0xC4;
	v3 =	vld [tilespmem:s25+$0xFFFFFF80]  }
0x9d: {  	v8 =	vld [tilespmem:s28+$0xFFFFFFC0];
	[tilespmem:s24+$0xFFFFFFF0] =	vst v1;
	v1 =	vadd.f32 v4, v2  }
0x9e: {  	v2 =	vld [tilespmem:s25+$0xFFFFFFC0];
	v0 =	vadd.f32 v5, v0  }
0x9f: {  	v4 =	vld [tilespmem:s28+$0x0];
	[tilespmem:s24+$0x30] =	vst v1  }
0xa0: {  	v1 =	vld [tilespmem:s25+$0x0];
	v5 =	vadd.f32 v6, v7;
	[tilespmem:s24+$0xFFFFFFB0] =	vst v0;
	s24 =	smov.u32 s28  }
0xa1: {  	v0 =	vld [tilespmem:s28+$0xFFFFFF80]  }
0xa2: {  	[tilespmem:s28+$0x40] =	vst v5;
	v5 =	vld [tilespmem:s28+$0x50]  }
0xa3: {  	v2 =	vadd.f32 v2, v8;
	v6 =	vld [tilespmem:s25+$0x50]  }
0xa4: {  	v7 =	vld [tilespmem:s28+$0xFFFFFF90]  }
0xa5: {  	[tilespmem:s28+$0xFFFFFFC0] =	vst v2;
	v2 =	vld [tilespmem:s28+$0xFFFFFFD0];
	v1 =	vadd.f32 v1, v4  }
0xa6: {  	v0 =	vadd.f32 v3, v0;
	v3 =	vld [tilespmem:s25+$0xFFFFFFD0]  }
0xa7: {  	[tilespmem:s28+$0x0] =	vst v1;
	v1 =	vld [tilespmem:s28+$0x10]  }
0xa8: {  	[tilespmem:s28+$0xFFFFFF80] =	vst v0;
	v0 =	vld [tilespmem:s25+$0x10];
	v4 =	vadd.f32 v6, v5  }
0xa9: {  	v5 =	vld [tilespmem:s25+$0xFFFFFF90]  }
0xaa: {  	[tilespmem:s28+$0x50] =	vst v4;
	v4 =	vld [tilespmem:s28+$0x60]  }
0xab: {  	v2 =	vadd.f32 v3, v2;
	v3 =	vld [tilespmem:s25+$0x60]  }
0xac: {  	v6 =	vld [tilespmem:s28+$0xFFFFFFA0]  }
0xad: {  	[tilespmem:s28+$0xFFFFFFD0] =	vst v2;
	v2 =	vld [tilespmem:s28+$0xFFFFFFE0];
	v0 =	vadd.f32 v0, v1  }
0xae: {  	v1 =	vadd.f32 v5, v7;
	v5 =	vld [tilespmem:s25+$0xFFFFFFE0]  }
0xaf: {  	[tilespmem:s28+$0x10] =	vst v0;
	v7 =	vld [tilespmem:s28+$0x20]  }
0xb0: {  	[tilespmem:s28+$0xFFFFFF90] =	vst v1;
	v8 =	vld [tilespmem:s25+$0x20];
	v0 =	vadd.f32 v3, v4  }
0xb1: {  	v3 =	vld [tilespmem:s25+$0xFFFFFFA0]  }
0xb2: {  	[tilespmem:s28+$0x60] =	vst v0;
	v9 =	vld [tilespmem:s28+$0x70]  }
0xb3: {  	v1 =	vadd.f32 v5, v2;
	v5 =	vld [tilespmem:s25+$0x70]  }
0xb4: {  	v0 =	vld [tilespmem:s28+$0xFFFFFFB0]  }
.Ltmp1:
0xb5: {  	[tilespmem:s28+$0xFFFFFFE0] =	vst v1;
	v1 =	vld [tilespmem:s28+$0xFFFFFFF0];
	v2 =	vadd.f32 v8, v7;
	(pc) =	sbr.rel @p0 .LBB2_5-.Ltmp1, $4  }
0xb6: {  	v4 =	vadd.f32 v3, v6;
	v3 =	vld [tilespmem:s25+$0xFFFFFFF0]  }
0xb7: {  	[tilespmem:s28+$0x20] =	vst v2;
	v2 =	vld [tilespmem:s28+$0x30]  }
0xb8: {  	[tilespmem:s28+$0xFFFFFFA0] =	vst v4;
	v4 =	vld [tilespmem:s25+$0x30];
	v6 =	vadd.f32 v5, v9  }
0xb9: {  	s28 =	sadd.s32 $0x100, s28;
	v5 =	vld [tilespmem:s25+$0xFFFFFFB0]  }
0xba: {  	_ = 	snop  }
0xbb: {  	s22 =	sadd.s32 $0x1, s22  }
0xbc: {  	v1 =	vadd.f32 v3, v1;
	p0 =	sne.s32 s22, $0x40  }
.Ltmp2:
0xbd: {  	[tilespmem:s24+$0x70] =	vst v6;
	s23 =	sadd.s32 s6, s23;
	v2 =	vadd.f32 v4, v2;
	(pc) =	sbr.rel @p0 .LBB2_2-.Ltmp2, $4  }
0xbe: {  	s23 =	smul.u32 $0x640, s23;
	[tilespmem:s24+$0xFFFFFFF0] =	vst v1;
	v0 =	vadd.f32 v5, v0  }
0xbf: {  	[tilespmem:s24+$0x30] =	vst v2  }
0xc0: {  	s23 =	sadd.s32 s2, s23;
	[tilespmem:s24+$0xFFFFFFB0] =	vst v0  }
0xc1: {  	[hbm4b:s23+s3] =	stream.linear.scatter [tilespmem:s15], [sflag:$0x4], $0x3200, $0x38;
	[tilespmem:$0xFA00] =	vst v63  }
0xc2: {  	s21 =	sadd.s32 $0x1, s21  }
0xc3: {  	_ =	swait.ge [sflag:s19], $0x3200;
	p0 =	sne.s32 s21, s8  }
.Ltmp3:
0xc4: {  	[sflag:s19] =	ssyncset.done $0x0;
	(pc) =	sbr.rel @p0 .LBB2_1-.Ltmp3, $4  }
0xc5: {  	[sflag:s19] =	ssyncadd.s32 $0xFFFFCE00  }
0xc6: {  	_ =	swait.ge [sflag:s20], $0x3200  }
0xc7: {  	[sflag:s20] =	ssyncset.done $0x0  }
0xc8: {  	[sflag:s20] =	ssyncadd.s32 $0xFFFFCE00  }
0xc9: {  	_ =	sfence.sel $0x180000  }
0xca: {  	[bflag:$0x0] =	sbarrier.arrive $0xFFFF  }
0xcb: {  	p0 =	sne.s32 s0, $0x0;
	_ =	strace $0x90000047  }
0xcc: {  	s0 =	sadd.s32 @!p0 $0x100000, s1;
	[bflag:$0x2] =	sbarrier.arrive $0xFFFF  }
0xcd: {  	[sflag:s0] =	ssyncadd.tile.s32 @!p0 $0x1;
	_ =	shalt  }
.Lfunc_end2:
_tile_overlayer_lowered:
.L_overlay_start_2:
0xce: {  	(tag) =	ssettag $0x2  }
0xcf: {  	s0 =	rddreg [dreg:$0x0];
	s2 =	stileid.u32  }
0xd0: {  	s1 =	rddreg [dreg:$0x1];
	p0 =	sne.s32 s2, $0x0  }
0xd1: {  	s3 =	rddreg [dreg:$0x2];
	[bflag:$0x3] =	sbarrier.arrive $0xFFFF;
	s2 =	simm.s32 @!p0 $0x1C05  }
0xd2: {  	[timem:s3], [sflag:s2] =	dma.local @!p0 [hbm:s0], s1  }
0xd3: {  	s0 =	simm.s32 @!p0 $0x5  }
0xd4: {  	_ =	swait.ge @!p0 [sflag:s0], s1  }
0xd5: {  	s1 =	ssub.s32 @!p0 $0x0, s1;
	[sflag:s0] =	ssyncset.done @!p0 $0x0  }
0xd6: {  	[sflag:s0] =	ssyncadd.s32 @!p0 s1  }
0xd7: {  	[bflag:$0x3] =	sbarrier.arrive $0xFFFF  }
0xd8: {  	_ =	shalt  }

// kernel: sparse-core-data-format-call.cloned.1.call-start
scs
called_computation_lowered:
.L_overlay_start_0:
0x0: {  	s2 =	sld [smem:$0x3FD9]  }
0x1: {  	s3 =	sld [smem:$0x3FFE];
	_ =	sdelay $0x1  }
0x2: {  	s1 =	srdreg.scid  }
0x3: {  	s0 =	sand.u32 $0x1, s1  }
0x4: {  	s18 =	sshll.u32 s0, $0xA;
	s2 =	sadd.s32 s3, s2  }
0x5: {  	s2 =	sadd.s32 s2, s18  }
0x6: {  	[smem:$0x3FC5] =	sst s2  }
0x7: {  	_ = 	snop  }
0x8: {  	s2 =	sld [smem:$0x3FD0];
	(tm) =	ssettm $0x1  }
0x9: {  	s19 =	sld [smem:$0x3FFB];
	_ =	sdelay $0x3  }
0xa: {  	_ =	strace s19  }
0xb: {  	s3 =	sld [smem:$0x3FFC];
	_ =	sdelay $0x3  }
0xc: {  	_ =	strace s3  }
0xd: {  	s3 =	sld [smem:$0x3FFD];
	_ =	sdelay $0x3  }
0xe: {  	_ =	strace s3  }
0xf: {  	_ =	strace $0x8FFFFFFF  }
0x10: {  	s20 =	sld [smem:$0x3FDB];
	_ =	sdelay $0x1  }
0x11: {  	s4 =	simm.s32 $_scs_section_size  }
0x12: {  	s5 =	simm.s32 $_size__tile_overlayer_lowered;
	s6 =	simm.s32 $_tile_overlayer_lowered  }
0x13: {  	s23 =	simm.s32 $0x1BFF;
	s22 =	sshll.u32 s6, $0x1;
	s3 =	sadd.s32 s4, s20  }
0x14: {  	s7 =	simm.s32 $0x0;
	s21 =	sshll.u32 s5, $0x1;
	s5 =	sadd.s32 s22, s3  }
0x15: {  	[timem:s7], [sflag:s23] =	dma.local [hbm:s5], s21  }
0x16: {  	_ =	swait.ge [sflag:s23], s21  }
0x17: {  	s4 =	ssub.s32 $0x0, s21;
	[sflag:s23] =	ssyncset.done $0x0  }
0x18: {  	[sflag:s23] =	ssyncadd.s32 s4;
	_ =	sdelay $0x1  }
0x19: {  	s24 =	simm.s32 $0x1B8B  }
0x1a: {  	_ =	swait.ge [sflag:s24], $0x1  }
0x1b: {  	[sflag:s24] =	ssyncset.done $0x0  }
0x1c: {  	s26 =	simm.s32 $0x1B8E;
	s25 =	sld [smem:$0x3FFE];
	[sflag:s24] =	ssyncadd.s32 $0xFFFFFFFF  }
0x1d: {  	s27 =	simm.s32 $execute0_lowered;
	[smem:$0x3FD2] =	sst s26  }
0x1e: {  	s5 =	sshll.u32 s27, $0x1;
	_ =	strace $0x80000049;
	[dreg:$0x1] =	wrdreg $0xFFFFFFFF  }
0x1f: {  	s28 =	simm.s32 $_size_execute0_lowered;
	s3 =	sadd.s32 s3, s5;
	[dreg:$0x0] =	wrdreg $0x0  }
0x20: {  	s5 =	sshll.u32 s28, $0x1;
	[dreg:$0x2] =	wrdreg s3  }
0x21: {  	[dreg:$0x3] =	wrdreg s5  }
0x22: {  	[dreg:$0x4] =	wrdreg $0xC0  }
0x23: {  	_ =	task [dreg:s7], $0x5FFFF  }
0x24: {  	[dreg:$0x1] =	wrdreg $0xFFFFFFFF  }
0x25: {  	[dreg:$0x0] =	wrdreg $0x60  }
0x26: {  	[dreg:$0x2] =	wrdreg s25  }
0x27: {  	[dreg:$0x3] =	wrdreg s2  }
0x28: {  	[dreg:$0x4] =	wrdreg $0x9  }
0x29: {  	_ =	task.clear_ibuf [dreg:s7], $0x5FFFF;
	_ =	strace $0x90000049  }
0x2a: {  	s29 =	simm.s32 $0x9;
	_ =	strace $0x8000004B  }
0x2b: {  	_ =	swait.ge [sflag:s29], $0x1  }
0x2c: {  	[sflag:s29] =	ssyncadd.s32 $0xFFFFFFFF  }
0x2d: {  	_ =	strace $0x9000004B  }
0x2e: {  	_ =	sfence  }
0x2f: {  	s30 =	sld [smem:$0x0];
	_ =	sdelay $0x2  }
0x30: {  	s31 =	sshll.u32 s1, $0xD;
	s1 =	sshrl.u32 s1, $0x2  }
0x31: {  	s3 =	sand.u32 $0x4000, s31;
	s1 =	sadd.s32 s1, s30  }
0x32: {  	s0 =	sor.u32 s3, s0;
	s1 =	sshll.u32 s1, $0x11  }
0x33: {  	s0 =	sor.u32 s1, s0  }
0x34: {  	s0 =	sadd.s32 $0x8F2B, s0  }
0x35: {  	[sflag:s0] =	ssyncadd.remote.s32 $0x1  }
0x36: {  	_ =	sfence.sel $0xFFFF  }
0x37: {  	[dreg:$0x0] =	wrdreg $0xFFFFFFFF;
	(pc) =	sbr.abs _section_cstart, $3  }
0x38: {  	[dreg:$0x1] =	wrdreg $0xFFFFFFFF  }
0x39: {  	_ =	task.clear_ibuf [dreg:s7], $0x2FFFF;
	_ =	strace $0x9FFFFFFF  }
0x3a: {  	(tm) =	ssettm $0x7FFFFFFF  }
0x3b: {  	_ =	shalt  }
tec
execute0_lowered:
.L_overlay_start_1:
0x0: {  	(tag) =	ssettag $0x1  }
0x1: {  	s0 =	srdreg.scid  }
0x2: {  	s1 =	sshll.u32 s0, $0x4  }
0x3: {  	s0 =	stileid.u32;
	s1 =	sand.u32 $0x10, s1  }
0x4: {  	s1 =	sor.u32 s0, s1  }
0x5: {  	s6 =	rddreg [dreg:$0x0];
	s4 =	simm.s32 $0x1;
	s2 =	sshll.u32 s1, $0x7  }
0x6: {  	s7 =	simm.s32 $0x2;
	s12 =	simm.s32 $0x0;
	s1 =	ssub.s32 $0x1000, s2  }
0x7: {  	s8 =	simm.s32 $0x8000;
	s13 =	simm.s32 $0x0;
	s3 =	sand.u32 $0xF80, s1  }
0x8: {  	s9 =	simm.s32 $0x0;
	s5 =	sshrl.u32 s1, $0xC;
	p0 =	sne.s32 s3, $0x0  }
.Ltmp0:
0x9: {  	s1 =	rddreg [dreg:$0x2];
	s4 =	simm.s32 @!p0 $0x0;
	(pc) =	sbr.rel .LBB1_1-.Ltmp0, $4  }
0xa: {  	s11 =	simm.s32 $0x0;
	s3 =	rddreg [dreg:$0x1];
	s5 =	sadd.s32 s4, s5  }
0xb: {  	_ =	strace $0x8000004A;
	s4 =	simm.s32 $0x1;
	s5 =	smul.u32 $0xC8, s5  }
0xc: {  	s6 =	sadd.s32 $0xC00, s6;
	s10 =	smov.u32 s2;
	[sflag:s4] =	ssyncpa.u1 $0x0  }
0xd: {  	p0 =	por $0x0, $0x0;
	[sflag:s7] =	ssyncpa.u1 $0x0;
	s7 =	sor.u32 $0x1, s5  }
.LBB1_4:
0xe: {  	s16 =	sshll.u32 s13, $0x3;
	s17 =	sand.u32 $0x78, s13  }
0xf: {  	s30 =	sand.u32 $0x7E00, s13;
	s12 =	sshll.u32 s12, $0xF;
	s16 =	sand.u32 $0xC00, s16  }
0x10: {  	[tilespmem:s15+$0x810 ss:$0x81] =	vst.msk $0xffff, v2;
	s31 =	sand.u32 $0x7, s13;
	s16 =	sor.u32 s17, s16;
	s17 =	sadd.s32 s3, s30  }
0x11: {  	[tilespmem:s15+$0x1020 ss:$0x81] =	vst.msk $0xffff, v0;
	s13 =	sshll.u32 s31, $0x12;
	s12 =	sadd.s32 s12, s17;
	s16 =	sshrl.u32 s16, $0x3  }
0x12: {  	[tilespmem:s15+$0x0 ss:$0x81] =	vst.msk $0xffff, v1;
	s13 =	sor.u32 $0x400, s13;
	s12 =	sadd.s32 s16, s12  }
0x13: {  	[hbm4b:s12+s13] =	stream.strided.scatter [tilespmem:s14], [sflag:$0x2], $0x2000, s8, s13, $0x20;
	[tilespmem:$0x8080] =	vst v63  }
.LBB1_5:
0x14: {  	s14 =	sadd.s32 $0x1, s9  }
0x15: {  	s12 =	sadd.s32 $0x1000, s10;
	s16 =	smov.u32 s10;
	p2 =	sgt.s32 s14, $0xC7  }
0x16: {  	s16 =	smov.u32 @p2 s12  }
0x17: {  	s14 =	simm.s32 @p2 $0x0;
	p2 =	sgt.s32 s16, $0xFFF  }
0x18: {  	s16 =	smov.u32 @p2 s2;
	p2 =	sne.s32 s11, s7  }
.Ltmp1:
0x19: {  	p1 =	slt.u32 s11, $0x2;
	(pc) =	sbr.rel @!p2 .LBB1_6-.Ltmp1, $4  }
0x1a: {  	s15 =	simm.s32 @!p1 $0x2  }
0x1b: {  	s13 =	smov.u32 s10;
	p0 =	por !p0, !p0;
	_ =	swait.ge @!p1 [sflag:s15], $0x2000  }
0x1c: {  	s12 =	smov.u32 s9;
	[sflag:s15] =	ssyncset.done @!p1 $0x0;
	s9 =	smov.u32 s14  }
0x1d: {  	s11 =	sadd.s32 $0x1, s11;
	[sflag:s15] =	ssyncadd.s32 @!p1 $0xFFFFE000;
	s10 =	smov.u32 s16  }
.LBB1_1:
0x1e: {  	p1 =	sge.u32 s11, s5  }
0x1f: {  	s14 =	sand.u32 @!p1 $0x1FFFFFF, s9  }
0x20: {  	s15 =	smulhi.u32 @!p1 $0x147AE15, s14;
	_ =	sdelay $0x1  }
0x21: {  	s15 =	smul.u32 @!p1 $0xC8, s15  }
0x22: {  	s16 =	sxor.u32 @!p1 $0xFFFFFFFF, s11;
	s17 =	smul.u32 @!p1 $0xC80, s10  }
0x23: {  	s31 =	sadd.s32 $0xFFFFFFFF, s11;
	s16 =	sshll.u32 @!p1 s16, $0xD;
	s14 =	ssub.s32 @!p1 s14, s15  }
0x24: {  	s15 =	sand.u32 @!p1 $0x2000, s16;
	s16 =	sadd.s32 @!p1 s6, s17;
	s14 =	sshll.u32 @!p1 s14, $0x4  }
0x25: {  	s17 =	simm.s32 @!p1 $0x6400;
	s14 =	sadd.s32 @!p1 s14, s16;
	s16 =	simm.s32 @!p1 $0x40  }
0x26: {  	[tilespmem:s15], [sflag:$0x1] =	stream.strided.gather @!p1 [hbm4b:s14+s16], $0x2000, s17, s16, $0x38;
	[tilespmem:$0x8080] =	vst v63  }
0x27: {  	p1 =	sge.u32 s31, s5  }
.Ltmp2:
0x28: {  	_ = 	snop;
	(pc) =	sbr.rel @p1 .LBB1_5-.Ltmp2, $1  }
0x29: {  	_ =	sdelay $0x3  }
0x2a: {  	s14 =	simm.s32 $0x1  }
0x2b: {  	_ =	swait.ge [sflag:s4], $0x2000;
	s14 =	simm.s32 @!p0 $0x0  }
0x2c: {  	[sflag:s4] =	ssyncset.done $0x0;
	s15 =	sshll.u32 s14, $0xD  }
0x2d: {  	[sflag:s4] =	ssyncadd.s32 $0xFFFFE000;
	s18 =	sor.u32 $0x20, s15  }
0x2e: {  	s14 =	smul.u32 $0x8100, s14;
	v3 =	vld [tilespmem:s18+$0x10]  }
0x2f: {  	s30 =	sand.u32 $0x1, s11;
	v2 =	vld [tilespmem:s18+$0xFFFFFFF0]  }
0x30: {  	s15 =	smul.u32 $0x8100, s30;
	s14 =	sshrl.u32 s14, $0x2;
	v0 =	vld [tilespmem:s18+$0x0]  }
0x31: {  	v1 =	vld [tilespmem:s18+$0xFFFFFFE0];
	s16 =	sor.u32 $0x4000, s14  }
0x32: {  	s31 =	sshrl.u32 s15, $0x2;
	s15 =	sadd.s32 $0x0, s16  }
0x33: {  	s17 =	simm.s32 $0x4;
	s18 =	sadd.s32 $0x40, s18;
	s14 =	sor.u32 $0x4000, s31;
	[tilespmem:s15+$0x1830 ss:$0x81] =	vst.msk $0xffff, v3  }
.LBB1_3:
0x34: {  	v3 =	vld [tilespmem:s18+$0x10];
	p1 =	sne.s32 s17, $0x1FC;
	[tilespmem:s15+$0x810 ss:$0x81] =	vst.msk $0xffff, v2;
	s19 =	smov.u32 s17;
	s17 =	sadd.s32 $0x4, s17  }
.Ltmp3:
0x35: {  	v2 =	vld [tilespmem:s18+$0xFFFFFFF0];
	[tilespmem:s15+$0x1020 ss:$0x81] =	vst.msk $0xffff, v0;
	(pc) =	sbr.rel @p1 .LBB1_3-.Ltmp3, $4  }
0x36: {  	v0 =	vld [tilespmem:s18+$0x0];
	[tilespmem:s15+$0x0 ss:$0x81] =	vst.msk $0xffff, v1  }
0x37: {  	s15 =	sshra.s32 s19, $0x2;
	v1 =	vld [tilespmem:s18+$0xFFFFFFE0]  }
0x38: {  	s15 =	sadd.s32 s15, s16  }
0x39: {  	s18 =	sadd.s32 $0x40, s18;
	[tilespmem:s15+$0x1830 ss:$0x81] =	vst.msk $0xffff, v3  }
.Ltmp4:
0x3a: {  	_ = 	snop;
	(pc) =	sbr.rel .LBB1_4-.Ltmp4, $1  }
0x3b: {  	_ =	sdelay $0x3  }
.LBB1_6:
0x3c: {  	_ =	sfence.sel $0x180000  }
0x3d: {  	s2 =	simm.s32 $0x1;
	[bflag:$0x0] =	sbarrier.arrive $0xFFFF  }
0x3e: {  	s31 =	simm.s32 $0x2;
	[sflag:s2] =	ssyncpa.u1 $0x1  }
0x3f: {  	[sflag:s31] =	ssyncpa.u1 $0x1  }
0x40: {  	p0 =	sne.s32 s0, $0x0;
	_ =	strace $0x9000004A  }
0x41: {  	s0 =	sadd.s32 @!p0 $0x100000, s1;
	[bflag:$0x2] =	sbarrier.arrive $0xFFFF  }
0x42: {  	[sflag:s0] =	ssyncadd.tile.s32 @!p0 $0x1;
	_ =	shalt  }
.Lfunc_end1:
_tile_overlayer_lowered:
.L_overlay_start_2:
0x43: {  	(tag) =	ssettag $0x2  }
0x44: {  	s0 =	rddreg [dreg:$0x0];
	s2 =	stileid.u32  }
0x45: {  	s1 =	rddreg [dreg:$0x1];
	p0 =	sne.s32 s2, $0x0  }
0x46: {  	s3 =	rddreg [dreg:$0x2];
	[bflag:$0x3] =	sbarrier.arrive $0xFFFF;
	s2 =	simm.s32 @!p0 $0x1C01  }
0x47: {  	[timem:s3], [sflag:s2] =	dma.local @!p0 [hbm:s0], s1  }
0x48: {  	s0 =	simm.s32 @!p0 $0x1  }
0x49: {  	_ =	swait.ge @!p0 [sflag:s0], s1  }
0x4a: {  	s1 =	ssub.s32 @!p0 $0x0, s1;
	[sflag:s0] =	ssyncset.done @!p0 $0x0  }
0x4b: {  	[sflag:s0] =	ssyncadd.s32 @!p0 s1  }
0x4c: {  	[bflag:$0x3] =	sbarrier.arrive $0xFFFF  }
0x4d: {  	_ =	shalt  }

</sc_bundles>
